<compile_context>
chip_gen: v7x
topology: tpu7x:2x2x1
jax: 0.10.2.dev20260603
libtpu: 0.0.44.dev20260713+nightly
codegen_flags: <defaults>
</compile_context>

<pallas_src>
import functools

import jax
import jax.numpy as jnp
from jax import lax
from jax.experimental import pallas as pl
from jax.experimental.pallas import tpu as pltpu
from jax.experimental.pallas import tpu_sc as plsc

SEQ_LEN = 8192
MODEL_DIM = 1024

_NC = 2
_NS = 16
_NW = _NC * _NS
_ROWS_PER_W = SEQ_LEN // _NW
_CHUNK = 16
_NSTEPS = _ROWS_PER_W // _CHUNK
_NBUF = 7

_mesh = plsc.VectorSubcoreMesh(core_axis_name="c", subcore_axis_name="s")


@functools.partial(
    pl.kernel,
    mesh=_mesh,
    out_type=jax.ShapeDtypeStruct((SEQ_LEN, MODEL_DIM), jnp.float32),
    scratch_types=[
        pltpu.VMEM((_NBUF, _CHUNK, MODEL_DIM), jnp.float32),
        pltpu.SemaphoreType.DMA((_NBUF,)),
        pltpu.SemaphoreType.DMA((_NBUF,)),
    ],
)
def _copy_rows(table_hbm, out_hbm, buf, sem_in, sem_out):
    wid = lax.axis_index("s") * _NC + lax.axis_index("c")
    base = wid * _ROWS_PER_W

    in_cp = [None] * _NSTEPS
    out_cp = [None] * _NSTEPS

    def start_in(step):
        b = step % _NBUF
        return pltpu.async_copy(
            table_hbm.at[pl.ds(base + step * _CHUNK, _CHUNK)],
            buf.at[b],
            sem_in.at[b],
        )

    for step in range(min(_NBUF, _NSTEPS)):
        in_cp[step] = start_in(step)

    for step in range(_NSTEPS):
        b = step % _NBUF
        in_cp[step].wait()
        out_cp[step] = pltpu.async_copy(
            buf.at[b],
            out_hbm.at[pl.ds(base + step * _CHUNK, _CHUNK)],
            sem_out.at[b],
        )
        prev = step - 1
        nxt = prev + _NBUF
        if prev >= 0 and nxt < _NSTEPS:
            out_cp[prev].wait()
            in_cp[nxt] = start_in(nxt)

    for step in range(max(0, _NSTEPS - _NBUF), _NSTEPS):
        out_cp[step].wait()


def kernel(x, emb_weight):
    del x
    return _copy_rows(emb_weight)

# --- scband reference (transcript-rebuilt; emitter-appended) ---
"""Pipeline reference for scband-learned-position-embeddings-73907797229716 (READ-ONLY COPY).

The authoritative reference and input builder live on the scoring server;
editing this copy changes nothing except your own understanding.
"""

import jax, jax.numpy as jnp
import numpy as np

SEQ_LEN = 8192
MODEL_DIM = 1024

def setup_inputs(seed: int = 0) -> dict:
    key = jax.random.key(seed)
    k1, k2 = jax.random.split(key)
    x = jax.random.randint(k1, (4, 8192), 0, 32000, dtype=jnp.int64) if jax.config.jax_enable_x64 else jax.random.randint(k1, (4, 8192), 0, 32000, dtype=jnp.int32)
    emb_weight = jax.random.normal(k2, (SEQ_LEN, MODEL_DIM), dtype=jnp.float32) * 0.02
    return {"x": x, "emb_weight": emb_weight}

def reference(x, emb_weight):
    sl = x.shape[1]
    num_embeddings = emb_weight.shape[0]
    positions = jnp.arange(0, sl)
    positions = jnp.clip(positions, 0, num_embeddings - 1)
    pos_emb = jnp.take(emb_weight, positions, axis=0)
    return pos_emb

if __name__ == "__main__":
    import jax
    _d = setup_inputs()
    print(jax.jit(kernel)(*tuple(_d.values())))

</pallas_src>

<mosaic_0001>
#map = affine_map<(d0, d1) -> (0, 0)>
module attributes {stable_mosaic.version = 14 : i64} {
  func.func @_copy_rows(%arg0: i32, %arg1: i32, %arg2: memref<8192x1024xf32, #tpu.memory_space<hbm>>, %arg3: memref<8192x1024xf32, #tpu.memory_space<hbm>>, %arg4: memref<7x16x1024xf32, #tpu.memory_space<vmem>>, %arg5: memref<7x!tpu.dma_semaphore, #tpu.memory_space<semaphore_mem>>, %arg6: memref<7x!tpu.dma_semaphore, #tpu.memory_space<semaphore_mem>>) attributes {dimension_semantics = [#tpu.dimension_semantics<core_parallel>, #tpu.dimension_semantics<subcore_parallel>], iteration_bounds = array<i64: 2, 16>, scalar_prefetch = 0 : i64, scratch_operands = 3 : i64, tpu.core_type = #tpu.core_type<sc_vector_subcore>, window_params = [{transform_indices = #map}, {transform_indices = #map}]} {
    %mul3A = arith.constant 2 : i32
    %mul3A_0 = arith.muli %arg1, %mul3A : i32
    %add3A = arith.addi %mul3A_0, %arg0 : i32
    %mul3A_1 = arith.constant 256 : i32
    %mul3A_2 = arith.muli %add3A, %mul3A_1 : i32
    %add3A_3 = arith.constant 0 : i32
    %add3A_4 = arith.addi %mul3A_2, %add3A_3 : i32
    %dma_start3A = arith.constant 0 : i32
    %dma_start3A_5 = arith.constant 0 : i32
    %dma_start3A_6 = arith.constant 0 : i32
    %dma_start3A_7 = arith.constant 0 : i32
    %dma_start3A_8 = tpu.memref_slice %arg4[%dma_start3A, %dma_start3A_6, %dma_start3A_7] : memref<7x16x1024xf32, #tpu.memory_space<vmem>> -> memref<1x16x1024xf32, #tpu.memory_space<vmem>>
    %dma_start3A_9 = tpu.memref_squeeze %dma_start3A_8 : memref<1x16x1024xf32, #tpu.memory_space<vmem>> -> memref<16x1024xf32, #tpu.memory_space<vmem>>
    %dma_start3A_10 = arith.constant 0 : i32
    %dma_start3A_11 = tpu.memref_slice %arg2[%add3A_4, %dma_start3A_10] : memref<8192x1024xf32, #tpu.memory_space<hbm>> -> memref<16x1024xf32, #tpu.memory_space<hbm>>
    %dma_start3A_12 = tpu.memref_slice %arg5[%dma_start3A_5] : memref<7x!tpu.dma_semaphore, #tpu.memory_space<semaphore_mem>> -> memref<1x!tpu.dma_semaphore, #tpu.memory_space<semaphore_mem>>
    %dma_start3A_13 = tpu.memref_squeeze %dma_start3A_12 : memref<1x!tpu.dma_semaphore, #tpu.memory_space<semaphore_mem>> -> memref<!tpu.dma_semaphore, #tpu.memory_space<semaphore_mem>>
    %dma_start3A_14 = arith.constant 0 : i32
    %dma_start3A_15 = arith.constant 0 : i32
    %dma_start3A_16 = tpu.memref_slice %arg4[%dma_start3A, %dma_start3A_14, %dma_start3A_15] : memref<7x16x1024xf32, #tpu.memory_space<vmem>> -> memref<1x16x1024xf32, #tpu.memory_space<vmem>>
    %dma_start3A_17 = tpu.memref_squeeze %dma_start3A_16 : memref<1x16x1024xf32, #tpu.memory_space<vmem>> -> memref<16x1024xf32, #tpu.memory_space<vmem>>
    %dma_start3A_18 = arith.constant 0 : i32
    %dma_start3A_19 = tpu.memref_slice %arg2[%add3A_4, %dma_start3A_18] : memref<8192x1024xf32, #tpu.memory_space<hbm>> -> memref<16x1024xf32, #tpu.memory_space<hbm>>
    tpu.enqueue_dma source(%dma_start3A_19 : memref<16x1024xf32, #tpu.memory_space<hbm>>) target(%dma_start3A_17 : memref<16x1024xf32, #tpu.memory_space<vmem>>) target_semaphore(%dma_start3A_13 : memref<!tpu.dma_semaphore, #tpu.memory_space<semaphore_mem>>)
    %add3A_20 = arith.constant 16 : i32
    %add3A_21 = arith.addi %mul3A_2, %add3A_20 : i32
    %dma_start3A_22 = arith.constant 1 : i32
    %dma_start3A_23 = arith.constant 1 : i32
    %dma_start3A_24 = arith.constant 0 : i32
    %dma_start3A_25 = arith.constant 0 : i32
    %dma_start3A_26 = tpu.memref_slice %arg4[%dma_start3A_22, %dma_start3A_24, %dma_start3A_25] : memref<7x16x1024xf32, #tpu.memory_space<vmem>> -> memref<1x16x1024xf32, #tpu.memory_space<vmem>>
    %dma_start3A_27 = tpu.memref_squeeze %dma_start3A_26 : memref<1x16x1024xf32, #tpu.memory_space<vmem>> -> memref<16x1024xf32, #tpu.memory_space<vmem>>
    %dma_start3A_28 = arith.constant 0 : i32
    %dma_start3A_29 = tpu.memref_slice %arg2[%add3A_21, %dma_start3A_28] : memref<8192x1024xf32, #tpu.memory_space<hbm>> -> memref<16x1024xf32, #tpu.memory_space<hbm>>
    %dma_start3A_30 = tpu.memref_slice %arg5[%dma_start3A_23] : memref<7x!tpu.dma_semaphore, #tpu.memory_space<semaphore_mem>> -> memref<1x!tpu.dma_semaphore, #tpu.memory_space<semaphore_mem>>
    %dma_start3A_31 = tpu.memref_squeeze %dma_start3A_30 : memref<1x!tpu.dma_semaphore, #tpu.memory_space<semaphore_mem>> -> memref<!tpu.dma_semaphore, #tpu.memory_space<semaphore_mem>>
    %dma_start3A_32 = arith.constant 0 : i32
    %dma_start3A_33 = arith.constant 0 : i32
    %dma_start3A_34 = tpu.memref_slice %arg4[%dma_start3A_22, %dma_start3A_32, %dma_start3A_33] : memref<7x16x1024xf32, #tpu.memory_space<vmem>> -> memref<1x16x1024xf32, #tpu.memory_space<vmem>>
    %dma_start3A_35 = tpu.memref_squeeze %dma_start3A_34 : memref<1x16x1024xf32, #tpu.memory_space<vmem>> -> memref<16x1024xf32, #tpu.memory_space<vmem>>
    %dma_start3A_36 = arith.constant 0 : i32
    %dma_start3A_37 = tpu.memref_slice %arg2[%add3A_21, %dma_start3A_36] : memref<8192x1024xf32, #tpu.memory_space<hbm>> -> memref<16x1024xf32, #tpu.memory_space<hbm>>
    tpu.enqueue_dma source(%dma_start3A_37 : memref<16x1024xf32, #tpu.memory_space<hbm>>) target(%dma_start3A_35 : memref<16x1024xf32, #tpu.memory_space<vmem>>) target_semaphore(%dma_start3A_31 : memref<!tpu.dma_semaphore, #tpu.memory_space<semaphore_mem>>)
    %add3A_38 = arith.constant 32 : i32
    %add3A_39 = arith.addi %mul3A_2, %add3A_38 : i32
    %dma_start3A_40 = arith.constant 2 : i32
    %dma_start3A_41 = arith.constant 2 : i32
    %dma_start3A_42 = arith.constant 0 : i32
    %dma_start3A_43 = arith.constant 0 : i32
    %dma_start3A_44 = tpu.memref_slice %arg4[%dma_start3A_40, %dma_start3A_42, %dma_start3A_43] : memref<7x16x1024xf32, #tpu.memory_space<vmem>> -> memref<1x16x1024xf32, #tpu.memory_space<vmem>>
    %dma_start3A_45 = tpu.memref_squeeze %dma_start3A_44 : memref<1x16x1024xf32, #tpu.memory_space<vmem>> -> memref<16x1024xf32, #tpu.memory_space<vmem>>
    %dma_start3A_46 = arith.constant 0 : i32
    %dma_start3A_47 = tpu.memref_slice %arg2[%add3A_39, %dma_start3A_46] : memref<8192x1024xf32, #tpu.memory_space<hbm>> -> memref<16x1024xf32, #tpu.memory_space<hbm>>
    %dma_start3A_48 = tpu.memref_slice %arg5[%dma_start3A_41] : memref<7x!tpu.dma_semaphore, #tpu.memory_space<semaphore_mem>> -> memref<1x!tpu.dma_semaphore, #tpu.memory_space<semaphore_mem>>
    %dma_start3A_49 = tpu.memref_squeeze %dma_start3A_48 : memref<1x!tpu.dma_semaphore, #tpu.memory_space<semaphore_mem>> -> memref<!tpu.dma_semaphore, #tpu.memory_space<semaphore_mem>>
    %dma_start3A_50 = arith.constant 0 : i32
    %dma_start3A_51 = arith.constant 0 : i32
    %dma_start3A_52 = tpu.memref_slice %arg4[%dma_start3A_40, %dma_start3A_50, %dma_start3A_51] : memref<7x16x1024xf32, #tpu.memory_space<vmem>> -> memref<1x16x1024xf32, #tpu.memory_space<vmem>>
    %dma_start3A_53 = tpu.memref_squeeze %dma_start3A_52 : memref<1x16x1024xf32, #tpu.memory_space<vmem>> -> memref<16x1024xf32, #tpu.memory_space<vmem>>
    %dma_start3A_54 = arith.constant 0 : i32
    %dma_start3A_55 = tpu.memref_slice %arg2[%add3A_39, %dma_start3A_54] : memref<8192x1024xf32, #tpu.memory_space<hbm>> -> memref<16x1024xf32, #tpu.memory_space<hbm>>
    tpu.enqueue_dma source(%dma_start3A_55 : memref<16x1024xf32, #tpu.memory_space<hbm>>) target(%dma_start3A_53 : memref<16x1024xf32, #tpu.memory_space<vmem>>) target_semaphore(%dma_start3A_49 : memref<!tpu.dma_semaphore, #tpu.memory_space<semaphore_mem>>)
    %add3A_56 = arith.constant 48 : i32
    %add3A_57 = arith.addi %mul3A_2, %add3A_56 : i32
    %dma_start3A_58 = arith.constant 3 : i32
    %dma_start3A_59 = arith.constant 3 : i32
    %dma_start3A_60 = arith.constant 0 : i32
    %dma_start3A_61 = arith.constant 0 : i32
    %dma_start3A_62 = tpu.memref_slice %arg4[%dma_start3A_58, %dma_start3A_60, %dma_start3A_61] : memref<7x16x1024xf32, #tpu.memory_space<vmem>> -> memref<1x16x1024xf32, #tpu.memory_space<vmem>>
    %dma_start3A_63 = tpu.memref_squeeze %dma_start3A_62 : memref<1x16x1024xf32, #tpu.memory_space<vmem>> -> memref<16x1024xf32, #tpu.memory_space<vmem>>
    %dma_start3A_64 = arith.constant 0 : i32
    %dma_start3A_65 = tpu.memref_slice %arg2[%add3A_57, %dma_start3A_64] : memref<8192x1024xf32, #tpu.memory_space<hbm>> -> memref<16x1024xf32, #tpu.memory_space<hbm>>
    %dma_start3A_66 = tpu.memref_slice %arg5[%dma_start3A_59] : memref<7x!tpu.dma_semaphore, #tpu.memory_space<semaphore_mem>> -> memref<1x!tpu.dma_semaphore, #tpu.memory_space<semaphore_mem>>
    %dma_start3A_67 = tpu.memref_squeeze %dma_start3A_66 : memref<1x!tpu.dma_semaphore, #tpu.memory_space<semaphore_mem>> -> memref<!tpu.dma_semaphore, #tpu.memory_space<semaphore_mem>>
    %dma_start3A_68 = arith.constant 0 : i32
    %dma_start3A_69 = arith.constant 0 : i32
    %dma_start3A_70 = tpu.memref_slice %arg4[%dma_start3A_58, %dma_start3A_68, %dma_start3A_69] : memref<7x16x1024xf32, #tpu.memory_space<vmem>> -> memref<1x16x1024xf32, #tpu.memory_space<vmem>>
    %dma_start3A_71 = tpu.memref_squeeze %dma_start3A_70 : memref<1x16x1024xf32, #tpu.memory_space<vmem>> -> memref<16x1024xf32, #tpu.memory_space<vmem>>
    %dma_start3A_72 = arith.constant 0 : i32
    %dma_start3A_73 = tpu.memref_slice %arg2[%add3A_57, %dma_start3A_72] : memref<8192x1024xf32, #tpu.memory_space<hbm>> -> memref<16x1024xf32, #tpu.memory_space<hbm>>
    tpu.enqueue_dma source(%dma_start3A_73 : memref<16x1024xf32, #tpu.memory_space<hbm>>) target(%dma_start3A_71 : memref<16x1024xf32, #tpu.memory_space<vmem>>) target_semaphore(%dma_start3A_67 : memref<!tpu.dma_semaphore, #tpu.memory_space<semaphore_mem>>)
    %add3A_74 = arith.constant 64 : i32
    %add3A_75 = arith.addi %mul3A_2, %add3A_74 : i32
    %dma_start3A_76 = arith.constant 4 : i32
    %dma_start3A_77 = arith.constant 4 : i32
    %dma_start3A_78 = arith.constant 0 : i32
    %dma_start3A_79 = arith.constant 0 : i32
    %dma_start3A_80 = tpu.memref_slice %arg4[%dma_start3A_76, %dma_start3A_78, %dma_start3A_79] : memref<7x16x1024xf32, #tpu.memory_space<vmem>> -> memref<1x16x1024xf32, #tpu.memory_space<vmem>>
    %dma_start3A_81 = tpu.memref_squeeze %dma_start3A_80 : memref<1x16x1024xf32, #tpu.memory_space<vmem>> -> memref<16x1024xf32, #tpu.memory_space<vmem>>
    %dma_start3A_82 = arith.constant 0 : i32
    %dma_start3A_83 = tpu.memref_slice %arg2[%add3A_75, %dma_start3A_82] : memref<8192x1024xf32, #tpu.memory_space<hbm>> -> memref<16x1024xf32, #tpu.memory_space<hbm>>
    %dma_start3A_84 = tpu.memref_slice %arg5[%dma_start3A_77] : memref<7x!tpu.dma_semaphore, #tpu.memory_space<semaphore_mem>> -> memref<1x!tpu.dma_semaphore, #tpu.memory_space<semaphore_mem>>
    %dma_start3A_85 = tpu.memref_squeeze %dma_start3A_84 : memref<1x!tpu.dma_semaphore, #tpu.memory_space<semaphore_mem>> -> memref<!tpu.dma_semaphore, #tpu.memory_space<semaphore_mem>>
    %dma_start3A_86 = arith.constant 0 : i32
    %dma_start3A_87 = arith.constant 0 : i32
    %dma_start3A_88 = tpu.memref_slice %arg4[%dma_start3A_76, %dma_start3A_86, %dma_start3A_87] : memref<7x16x1024xf32, #tpu.memory_space<vmem>> -> memref<1x16x1024xf32, #tpu.memory_space<vmem>>
    %dma_start3A_89 = tpu.memref_squeeze %dma_start3A_88 : memref<1x16x1024xf32, #tpu.memory_space<vmem>> -> memref<16x1024xf32, #tpu.memory_space<vmem>>
    %dma_start3A_90 = arith.constant 0 : i32
    %dma_start3A_91 = tpu.memref_slice %arg2[%add3A_75, %dma_start3A_90] : memref<8192x1024xf32, #tpu.memory_space<hbm>> -> memref<16x1024xf32, #tpu.memory_space<hbm>>
    tpu.enqueue_dma source(%dma_start3A_91 : memref<16x1024xf32, #tpu.memory_space<hbm>>) target(%dma_start3A_89 : memref<16x1024xf32, #tpu.memory_space<vmem>>) target_semaphore(%dma_start3A_85 : memref<!tpu.dma_semaphore, #tpu.memory_space<semaphore_mem>>)
    %add3A_92 = arith.constant 80 : i32
    %add3A_93 = arith.addi %mul3A_2, %add3A_92 : i32
    %dma_start3A_94 = arith.constant 5 : i32
    %dma_start3A_95 = arith.constant 5 : i32
    %dma_start3A_96 = arith.constant 0 : i32
    %dma_start3A_97 = arith.constant 0 : i32
    %dma_start3A_98 = tpu.memref_slice %arg4[%dma_start3A_94, %dma_start3A_96, %dma_start3A_97] : memref<7x16x1024xf32, #tpu.memory_space<vmem>> -> memref<1x16x1024xf32, #tpu.memory_space<vmem>>
    %dma_start3A_99 = tpu.memref_squeeze %dma_start3A_98 : memref<1x16x1024xf32, #tpu.memory_space<vmem>> -> memref<16x1024xf32, #tpu.memory_space<vmem>>
    %dma_start3A_100 = arith.constant 0 : i32
    %dma_start3A_101 = tpu.memref_slice %arg2[%add3A_93, %dma_start3A_100] : memref<8192x1024xf32, #tpu.memory_space<hbm>> -> memref<16x1024xf32, #tpu.memory_space<hbm>>
    %dma_start3A_102 = tpu.memref_slice %arg5[%dma_start3A_95] : memref<7x!tpu.dma_semaphore, #tpu.memory_space<semaphore_mem>> -> memref<1x!tpu.dma_semaphore, #tpu.memory_space<semaphore_mem>>
    %dma_start3A_103 = tpu.memref_squeeze %dma_start3A_102 : memref<1x!tpu.dma_semaphore, #tpu.memory_space<semaphore_mem>> -> memref<!tpu.dma_semaphore, #tpu.memory_space<semaphore_mem>>
    %dma_start3A_104 = arith.constant 0 : i32
    %dma_start3A_105 = arith.constant 0 : i32
    %dma_start3A_106 = tpu.memref_slice %arg4[%dma_start3A_94, %dma_start3A_104, %dma_start3A_105] : memref<7x16x1024xf32, #tpu.memory_space<vmem>> -> memref<1x16x1024xf32, #tpu.memory_space<vmem>>
    %dma_start3A_107 = tpu.memref_squeeze %dma_start3A_106 : memref<1x16x1024xf32, #tpu.memory_space<vmem>> -> memref<16x1024xf32, #tpu.memory_space<vmem>>
    %dma_start3A_108 = arith.constant 0 : i32
    %dma_start3A_109 = tpu.memref_slice %arg2[%add3A_93, %dma_start3A_108] : memref<8192x1024xf32, #tpu.memory_space<hbm>> -> memref<16x1024xf32, #tpu.memory_space<hbm>>
    tpu.enqueue_dma source(%dma_start3A_109 : memref<16x1024xf32, #tpu.memory_space<hbm>>) target(%dma_start3A_107 : memref<16x1024xf32, #tpu.memory_space<vmem>>) target_semaphore(%dma_start3A_103 : memref<!tpu.dma_semaphore, #tpu.memory_space<semaphore_mem>>)
    %add3A_110 = arith.constant 96 : i32
    %add3A_111 = arith.addi %mul3A_2, %add3A_110 : i32
    %dma_start3A_112 = arith.constant 6 : i32
    %dma_start3A_113 = arith.constant 6 : i32
    %dma_start3A_114 = arith.constant 0 : i32
    %dma_start3A_115 = arith.constant 0 : i32
    %dma_start3A_116 = tpu.memref_slice %arg4[%dma_start3A_112, %dma_start3A_114, %dma_start3A_115] : memref<7x16x1024xf32, #tpu.memory_space<vmem>> -> memref<1x16x1024xf32, #tpu.memory_space<vmem>>
    %dma_start3A_117 = tpu.memref_squeeze %dma_start3A_116 : memref<1x16x1024xf32, #tpu.memory_space<vmem>> -> memref<16x1024xf32, #tpu.memory_space<vmem>>
    %dma_start3A_118 = arith.constant 0 : i32
    %dma_start3A_119 = tpu.memref_slice %arg2[%add3A_111, %dma_start3A_118] : memref<8192x1024xf32, #tpu.memory_space<hbm>> -> memref<16x1024xf32, #tpu.memory_space<hbm>>
    %dma_start3A_120 = tpu.memref_slice %arg5[%dma_start3A_113] : memref<7x!tpu.dma_semaphore, #tpu.memory_space<semaphore_mem>> -> memref<1x!tpu.dma_semaphore, #tpu.memory_space<semaphore_mem>>
    %dma_start3A_121 = tpu.memref_squeeze %dma_start3A_120 : memref<1x!tpu.dma_semaphore, #tpu.memory_space<semaphore_mem>> -> memref<!tpu.dma_semaphore, #tpu.memory_space<semaphore_mem>>
    %dma_start3A_122 = arith.constant 0 : i32
    %dma_start3A_123 = arith.constant 0 : i32
    %dma_start3A_124 = tpu.memref_slice %arg4[%dma_start3A_112, %dma_start3A_122, %dma_start3A_123] : memref<7x16x1024xf32, #tpu.memory_space<vmem>> -> memref<1x16x1024xf32, #tpu.memory_space<vmem>>
    %dma_start3A_125 = tpu.memref_squeeze %dma_start3A_124 : memref<1x16x1024xf32, #tpu.memory_space<vmem>> -> memref<16x1024xf32, #tpu.memory_space<vmem>>
    %dma_start3A_126 = arith.constant 0 : i32
    %dma_start3A_127 = tpu.memref_slice %arg2[%add3A_111, %dma_start3A_126] : memref<8192x1024xf32, #tpu.memory_space<hbm>> -> memref<16x1024xf32, #tpu.memory_space<hbm>>
    tpu.enqueue_dma source(%dma_start3A_127 : memref<16x1024xf32, #tpu.memory_space<hbm>>) target(%dma_start3A_125 : memref<16x1024xf32, #tpu.memory_space<vmem>>) target_semaphore(%dma_start3A_121 : memref<!tpu.dma_semaphore, #tpu.memory_space<semaphore_mem>>)
    %dma_wait3A = arith.constant 0 : i32
    %dma_wait3A_128 = arith.constant 0 : i32
    %dma_wait3A_129 = arith.constant 0 : i32
    %dma_wait3A_130 = arith.constant 0 : i32
    %dma_wait3A_131 = tpu.memref_slice %arg4[%dma_wait3A, %dma_wait3A_129, %dma_wait3A_130] : memref<7x16x1024xf32, #tpu.memory_space<vmem>> -> memref<1x16x1024xf32, #tpu.memory_space<vmem>>
    %dma_wait3A_132 = tpu.memref_squeeze %dma_wait3A_131 : memref<1x16x1024xf32, #tpu.memory_space<vmem>> -> memref<16x1024xf32, #tpu.memory_space<vmem>>
    %dma_wait3A_133 = arith.constant 0 : i32
    %dma_wait3A_134 = tpu.memref_slice %arg2[%add3A_4, %dma_wait3A_133] : memref<8192x1024xf32, #tpu.memory_space<hbm>> -> memref<16x1024xf32, #tpu.memory_space<hbm>>
    %dma_wait3A_135 = tpu.memref_slice %arg5[%dma_wait3A_128] : memref<7x!tpu.dma_semaphore, #tpu.memory_space<semaphore_mem>> -> memref<1x!tpu.dma_semaphore, #tpu.memory_space<semaphore_mem>>
    %dma_wait3A_136 = tpu.memref_squeeze %dma_wait3A_135 : memref<1x!tpu.dma_semaphore, #tpu.memory_space<semaphore_mem>> -> memref<!tpu.dma_semaphore, #tpu.memory_space<semaphore_mem>>
    %dma_wait3A_137 = arith.constant 0 : i32
    %dma_wait3A_138 = arith.constant 0 : i32
    %dma_wait3A_139 = tpu.memref_slice %arg4[%dma_wait3A, %dma_wait3A_137, %dma_wait3A_138] : memref<7x16x1024xf32, #tpu.memory_space<vmem>> -> memref<1x16x1024xf32, #tpu.memory_space<vmem>>
    %dma_wait3A_140 = tpu.memref_squeeze %dma_wait3A_139 : memref<1x16x1024xf32, #tpu.memory_space<vmem>> -> memref<16x1024xf32, #tpu.memory_space<vmem>>
    %dma_wait3A_141 = arith.constant 0 : i32
    %dma_wait3A_142 = tpu.memref_slice %arg2[%add3A_4, %dma_wait3A_141] : memref<8192x1024xf32, #tpu.memory_space<hbm>> -> memref<16x1024xf32, #tpu.memory_space<hbm>>
    tpu.wait_dma2 semaphore(%dma_wait3A_136 : memref<!tpu.dma_semaphore, #tpu.memory_space<semaphore_mem>>) src(%dma_wait3A_142 : memref<16x1024xf32, #tpu.memory_space<hbm>>) dst(%dma_wait3A_140 : memref<16x1024xf32, #tpu.memory_space<vmem>>)
    %add3A_143 = arith.constant 0 : i32
    %add3A_144 = arith.addi %mul3A_2, %add3A_143 : i32
    %dma_start3A_145 = arith.constant 0 : i32
    %dma_start3A_146 = arith.constant 0 : i32
    %dma_start3A_147 = arith.constant 0 : i32
    %dma_start3A_148 = arith.constant 0 : i32
    %dma_start3A_149 = tpu.memref_slice %arg4[%dma_start3A_145, %dma_start3A_147, %dma_start3A_148] : memref<7x16x1024xf32, #tpu.memory_space<vmem>> -> memref<1x16x1024xf32, #tpu.memory_space<vmem>>
    %dma_start3A_150 = tpu.memref_squeeze %dma_start3A_149 : memref<1x16x1024xf32, #tpu.memory_space<vmem>> -> memref<16x1024xf32, #tpu.memory_space<vmem>>
    %dma_start3A_151 = arith.constant 0 : i32
    %dma_start3A_152 = tpu.memref_slice %arg3[%add3A_144, %dma_start3A_151] : memref<8192x1024xf32, #tpu.memory_space<hbm>> -> memref<16x1024xf32, #tpu.memory_space<hbm>>
    %dma_start3A_153 = tpu.memref_slice %arg6[%dma_start3A_146] : memref<7x!tpu.dma_semaphore, #tpu.memory_space<semaphore_mem>> -> memref<1x!tpu.dma_semaphore, #tpu.memory_space<semaphore_mem>>
    %dma_start3A_154 = tpu.memref_squeeze %dma_start3A_153 : memref<1x!tpu.dma_semaphore, #tpu.memory_space<semaphore_mem>> -> memref<!tpu.dma_semaphore, #tpu.memory_space<semaphore_mem>>
    %dma_start3A_155 = arith.constant 0 : i32
    %dma_start3A_156 = tpu.memref_slice %arg3[%add3A_144, %dma_start3A_155] : memref<8192x1024xf32, #tpu.memory_space<hbm>> -> memref<16x1024xf32, #tpu.memory_space<hbm>>
    %dma_start3A_157 = arith.constant 0 : i32
    %dma_start3A_158 = arith.constant 0 : i32
    %dma_start3A_159 = tpu.memref_slice %arg4[%dma_start3A_145, %dma_start3A_157, %dma_start3A_158] : memref<7x16x1024xf32, #tpu.memory_space<vmem>> -> memref<1x16x1024xf32, #tpu.memory_space<vmem>>
    %dma_start3A_160 = tpu.memref_squeeze %dma_start3A_159 : memref<1x16x1024xf32, #tpu.memory_space<vmem>> -> memref<16x1024xf32, #tpu.memory_space<vmem>>
    tpu.enqueue_dma source(%dma_start3A_160 : memref<16x1024xf32, #tpu.memory_space<vmem>>) target(%dma_start3A_156 : memref<16x1024xf32, #tpu.memory_space<hbm>>) target_semaphore(%dma_start3A_154 : memref<!tpu.dma_semaphore, #tpu.memory_space<semaphore_mem>>)
    %dma_wait3A_161 = arith.constant 1 : i32
    %dma_wait3A_162 = arith.constant 1 : i32
    %dma_wait3A_163 = arith.constant 0 : i32
    %dma_wait3A_164 = arith.constant 0 : i32
    %dma_wait3A_165 = tpu.memref_slice %arg4[%dma_wait3A_161, %dma_wait3A_163, %dma_wait3A_164] : memref<7x16x1024xf32, #tpu.memory_space<vmem>> -> memref<1x16x1024xf32, #tpu.memory_space<vmem>>
    %dma_wait3A_166 = tpu.memref_squeeze %dma_wait3A_165 : memref<1x16x1024xf32, #tpu.memory_space<vmem>> -> memref<16x1024xf32, #tpu.memory_space<vmem>>
    %dma_wait3A_167 = arith.constant 0 : i32
    %dma_wait3A_168 = tpu.memref_slice %arg2[%add3A_21, %dma_wait3A_167] : memref<8192x1024xf32, #tpu.memory_space<hbm>> -> memref<16x1024xf32, #tpu.memory_space<hbm>>
    %dma_wait3A_169 = tpu.memref_slice %arg5[%dma_wait3A_162] : memref<7x!tpu.dma_semaphore, #tpu.memory_space<semaphore_mem>> -> memref<1x!tpu.dma_semaphore, #tpu.memory_space<semaphore_mem>>
    %dma_wait3A_170 = tpu.memref_squeeze %dma_wait3A_169 : memref<1x!tpu.dma_semaphore, #tpu.memory_space<semaphore_mem>> -> memref<!tpu.dma_semaphore, #tpu.memory_space<semaphore_mem>>
    %dma_wait3A_171 = arith.constant 0 : i32
    %dma_wait3A_172 = arith.constant 0 : i32
    %dma_wait3A_173 = tpu.memref_slice %arg4[%dma_wait3A_161, %dma_wait3A_171, %dma_wait3A_172] : memref<7x16x1024xf32, #tpu.memory_space<vmem>> -> memref<1x16x1024xf32, #tpu.memory_space<vmem>>
    %dma_wait3A_174 = tpu.memref_squeeze %dma_wait3A_173 : memref<1x16x1024xf32, #tpu.memory_space<vmem>> -> memref<16x1024xf32, #tpu.memory_space<vmem>>
    %dma_wait3A_175 = arith.constant 0 : i32
    %dma_wait3A_176 = tpu.memref_slice %arg2[%add3A_21, %dma_wait3A_175] : memref<8192x1024xf32, #tpu.memory_space<hbm>> -> memref<16x1024xf32, #tpu.memory_space<hbm>>
    tpu.wait_dma2 semaphore(%dma_wait3A_170 : memref<!tpu.dma_semaphore, #tpu.memory_space<semaphore_mem>>) src(%dma_wait3A_176 : memref<16x1024xf32, #tpu.memory_space<hbm>>) dst(%dma_wait3A_174 : memref<16x1024xf32, #tpu.memory_space<vmem>>)
    %add3A_177 = arith.constant 16 : i32
    %add3A_178 = arith.addi %mul3A_2, %add3A_177 : i32
    %dma_start3A_179 = arith.constant 1 : i32
    %dma_start3A_180 = arith.constant 1 : i32
    %dma_start3A_181 = arith.constant 0 : i32
    %dma_start3A_182 = arith.constant 0 : i32
    %dma_start3A_183 = tpu.memref_slice %arg4[%dma_start3A_179, %dma_start3A_181, %dma_start3A_182] : memref<7x16x1024xf32, #tpu.memory_space<vmem>> -> memref<1x16x1024xf32, #tpu.memory_space<vmem>>
    %dma_start3A_184 = tpu.memref_squeeze %dma_start3A_183 : memref<1x16x1024xf32, #tpu.memory_space<vmem>> -> memref<16x1024xf32, #tpu.memory_space<vmem>>
    %dma_start3A_185 = arith.constant 0 : i32
    %dma_start3A_186 = tpu.memref_slice %arg3[%add3A_178, %dma_start3A_185] : memref<8192x1024xf32, #tpu.memory_space<hbm>> -> memref<16x1024xf32, #tpu.memory_space<hbm>>
    %dma_start3A_187 = tpu.memref_slice %arg6[%dma_start3A_180] : memref<7x!tpu.dma_semaphore, #tpu.memory_space<semaphore_mem>> -> memref<1x!tpu.dma_semaphore, #tpu.memory_space<semaphore_mem>>
    %dma_start3A_188 = tpu.memref_squeeze %dma_start3A_187 : memref<1x!tpu.dma_semaphore, #tpu.memory_space<semaphore_mem>> -> memref<!tpu.dma_semaphore, #tpu.memory_space<semaphore_mem>>
    %dma_start3A_189 = arith.constant 0 : i32
    %dma_start3A_190 = tpu.memref_slice %arg3[%add3A_178, %dma_start3A_189] : memref<8192x1024xf32, #tpu.memory_space<hbm>> -> memref<16x1024xf32, #tpu.memory_space<hbm>>
    %dma_start3A_191 = arith.constant 0 : i32
    %dma_start3A_192 = arith.constant 0 : i32
    %dma_start3A_193 = tpu.memref_slice %arg4[%dma_start3A_179, %dma_start3A_191, %dma_start3A_192] : memref<7x16x1024xf32, #tpu.memory_space<vmem>> -> memref<1x16x1024xf32, #tpu.memory_space<vmem>>
    %dma_start3A_194 = tpu.memref_squeeze %dma_start3A_193 : memref<1x16x1024xf32, #tpu.memory_space<vmem>> -> memref<16x1024xf32, #tpu.memory_space<vmem>>
    tpu.enqueue_dma source(%dma_start3A_194 : memref<16x1024xf32, #tpu.memory_space<vmem>>) target(%dma_start3A_190 : memref<16x1024xf32, #tpu.memory_space<hbm>>) target_semaphore(%dma_start3A_188 : memref<!tpu.dma_semaphore, #tpu.memory_space<semaphore_mem>>)
    %dma_wait3A_195 = arith.constant 0 : i32
    %dma_wait3A_196 = arith.constant 0 : i32
    %dma_wait3A_197 = arith.constant 0 : i32
    %dma_wait3A_198 = arith.constant 0 : i32
    %dma_wait3A_199 = tpu.memref_slice %arg4[%dma_wait3A_195, %dma_wait3A_197, %dma_wait3A_198] : memref<7x16x1024xf32, #tpu.memory_space<vmem>> -> memref<1x16x1024xf32, #tpu.memory_space<vmem>>
    %dma_wait3A_200 = tpu.memref_squeeze %dma_wait3A_199 : memref<1x16x1024xf32, #tpu.memory_space<vmem>> -> memref<16x1024xf32, #tpu.memory_space<vmem>>
    %dma_wait3A_201 = arith.constant 0 : i32
    %dma_wait3A_202 = tpu.memref_slice %arg3[%add3A_144, %dma_wait3A_201] : memref<8192x1024xf32, #tpu.memory_space<hbm>> -> memref<16x1024xf32, #tpu.memory_space<hbm>>
    %dma_wait3A_203 = tpu.memref_slice %arg6[%dma_wait3A_196] : memref<7x!tpu.dma_semaphore, #tpu.memory_space<semaphore_mem>> -> memref<1x!tpu.dma_semaphore, #tpu.memory_space<semaphore_mem>>
    %dma_wait3A_204 = tpu.memref_squeeze %dma_wait3A_203 : memref<1x!tpu.dma_semaphore, #tpu.memory_space<semaphore_mem>> -> memref<!tpu.dma_semaphore, #tpu.memory_space<semaphore_mem>>
    %dma_wait3A_205 = arith.constant 0 : i32
    %dma_wait3A_206 = tpu.memref_slice %arg3[%add3A_144, %dma_wait3A_205] : memref<8192x1024xf32, #tpu.memory_space<hbm>> -> memref<16x1024xf32, #tpu.memory_space<hbm>>
    %dma_wait3A_207 = arith.constant 0 : i32
    %dma_wait3A_208 = arith.constant 0 : i32
    %dma_wait3A_209 = tpu.memref_slice %arg4[%dma_wait3A_195, %dma_wait3A_207, %dma_wait3A_208] : memref<7x16x1024xf32, #tpu.memory_space<vmem>> -> memref<1x16x1024xf32, #tpu.memory_space<vmem>>
    %dma_wait3A_210 = tpu.memref_squeeze %dma_wait3A_209 : memref<1x16x1024xf32, #tpu.memory_space<vmem>> -> memref<16x1024xf32, #tpu.memory_space<vmem>>
    tpu.wait_dma2 semaphore(%dma_wait3A_204 : memref<!tpu.dma_semaphore, #tpu.memory_space<semaphore_mem>>) src(%dma_wait3A_210 : memref<16x1024xf32, #tpu.memory_space<vmem>>) dst(%dma_wait3A_206 : memref<16x1024xf32, #tpu.memory_space<hbm>>)
    %add3A_211 = arith.constant 112 : i32
    %add3A_212 = arith.addi %mul3A_2, %add3A_211 : i32
    %dma_start3A_213 = arith.constant 0 : i32
    %dma_start3A_214 = arith.constant 0 : i32
    %dma_start3A_215 = arith.constant 0 : i32
    %dma_start3A_216 = arith.constant 0 : i32
    %dma_start3A_217 = tpu.memref_slice %arg4[%dma_start3A_213, %dma_start3A_215, %dma_start3A_216] : memref<7x16x1024xf32, #tpu.memory_space<vmem>> -> memref<1x16x1024xf32, #tpu.memory_space<vmem>>
    %dma_start3A_218 = tpu.memref_squeeze %dma_start3A_217 : memref<1x16x1024xf32, #tpu.memory_space<vmem>> -> memref<16x1024xf32, #tpu.memory_space<vmem>>
    %dma_start3A_219 = arith.constant 0 : i32
    %dma_start3A_220 = tpu.memref_slice %arg2[%add3A_212, %dma_start3A_219] : memref<8192x1024xf32, #tpu.memory_space<hbm>> -> memref<16x1024xf32, #tpu.memory_space<hbm>>
    %dma_start3A_221 = tpu.memref_slice %arg5[%dma_start3A_214] : memref<7x!tpu.dma_semaphore, #tpu.memory_space<semaphore_mem>> -> memref<1x!tpu.dma_semaphore, #tpu.memory_space<semaphore_mem>>
    %dma_start3A_222 = tpu.memref_squeeze %dma_start3A_221 : memref<1x!tpu.dma_semaphore, #tpu.memory_space<semaphore_mem>> -> memref<!tpu.dma_semaphore, #tpu.memory_space<semaphore_mem>>
    %dma_start3A_223 = arith.constant 0 : i32
    %dma_start3A_224 = arith.constant 0 : i32
    %dma_start3A_225 = tpu.memref_slice %arg4[%dma_start3A_213, %dma_start3A_223, %dma_start3A_224] : memref<7x16x1024xf32, #tpu.memory_space<vmem>> -> memref<1x16x1024xf32, #tpu.memory_space<vmem>>
    %dma_start3A_226 = tpu.memref_squeeze %dma_start3A_225 : memref<1x16x1024xf32, #tpu.memory_space<vmem>> -> memref<16x1024xf32, #tpu.memory_space<vmem>>
    %dma_start3A_227 = arith.constant 0 : i32
    %dma_start3A_228 = tpu.memref_slice %arg2[%add3A_212, %dma_start3A_227] : memref<8192x1024xf32, #tpu.memory_space<hbm>> -> memref<16x1024xf32, #tpu.memory_space<hbm>>
    tpu.enqueue_dma source(%dma_start3A_228 : memref<16x1024xf32, #tpu.memory_space<hbm>>) target(%dma_start3A_226 : memref<16x1024xf32, #tpu.memory_space<vmem>>) target_semaphore(%dma_start3A_222 : memref<!tpu.dma_semaphore, #tpu.memory_space<semaphore_mem>>)
    %dma_wait3A_229 = arith.constant 2 : i32
    %dma_wait3A_230 = arith.constant 2 : i32
    %dma_wait3A_231 = arith.constant 0 : i32
    %dma_wait3A_232 = arith.constant 0 : i32
    %dma_wait3A_233 = tpu.memref_slice %arg4[%dma_wait3A_229, %dma_wait3A_231, %dma_wait3A_232] : memref<7x16x1024xf32, #tpu.memory_space<vmem>> -> memref<1x16x1024xf32, #tpu.memory_space<vmem>>
    %dma_wait3A_234 = tpu.memref_squeeze %dma_wait3A_233 : memref<1x16x1024xf32, #tpu.memory_space<vmem>> -> memref<16x1024xf32, #tpu.memory_space<vmem>>
    %dma_wait3A_235 = arith.constant 0 : i32
    %dma_wait3A_236 = tpu.memref_slice %arg2[%add3A_39, %dma_wait3A_235] : memref<8192x1024xf32, #tpu.memory_space<hbm>> -> memref<16x1024xf32, #tpu.memory_space<hbm>>
    %dma_wait3A_237 = tpu.memref_slice %arg5[%dma_wait3A_230] : memref<7x!tpu.dma_semaphore, #tpu.memory_space<semaphore_mem>> -> memref<1x!tpu.dma_semaphore, #tpu.memory_space<semaphore_mem>>
    %dma_wait3A_238 = tpu.memref_squeeze %dma_wait3A_237 : memref<1x!tpu.dma_semaphore, #tpu.memory_space<semaphore_mem>> -> memref<!tpu.dma_semaphore, #tpu.memory_space<semaphore_mem>>
    %dma_wait3A_239 = arith.constant 0 : i32
    %dma_wait3A_240 = arith.constant 0 : i32
    %dma_wait3A_241 = tpu.memref_slice %arg4[%dma_wait3A_229, %dma_wait3A_239, %dma_wait3A_240] : memref<7x16x1024xf32, #tpu.memory_space<vmem>> -> memref<1x16x1024xf32, #tpu.memory_space<vmem>>
    %dma_wait3A_242 = tpu.memref_squeeze %dma_wait3A_241 : memref<1x16x1024xf32, #tpu.memory_space<vmem>> -> memref<16x1024xf32, #tpu.memory_space<vmem>>
    %dma_wait3A_243 = arith.constant 0 : i32
    %dma_wait3A_244 = tpu.memref_slice %arg2[%add3A_39, %dma_wait3A_243] : memref<8192x1024xf32, #tpu.memory_space<hbm>> -> memref<16x1024xf32, #tpu.memory_space<hbm>>
    tpu.wait_dma2 semaphore(%dma_wait3A_238 : memref<!tpu.dma_semaphore, #tpu.memory_space<semaphore_mem>>) src(%dma_wait3A_244 : memref<16x1024xf32, #tpu.memory_space<hbm>>) dst(%dma_wait3A_242 : memref<16x1024xf32, #tpu.memory_space<vmem>>)
    %add3A_245 = arith.constant 32 : i32
    %add3A_246 = arith.addi %mul3A_2, %add3A_245 : i32
    %dma_start3A_247 = arith.constant 2 : i32
    %dma_start3A_248 = arith.constant 2 : i32
    %dma_start3A_249 = arith.constant 0 : i32
    %dma_start3A_250 = arith.constant 0 : i32
    %dma_start3A_251 = tpu.memref_slice %arg4[%dma_start3A_247, %dma_start3A_249, %dma_start3A_250] : memref<7x16x1024xf32, #tpu.memory_space<vmem>> -> memref<1x16x1024xf32, #tpu.memory_space<vmem>>
    %dma_start3A_252 = tpu.memref_squeeze %dma_start3A_251 : memref<1x16x1024xf32, #tpu.memory_space<vmem>> -> memref<16x1024xf32, #tpu.memory_space<vmem>>
    %dma_start3A_253 = arith.constant 0 : i32
    %dma_start3A_254 = tpu.memref_slice %arg3[%add3A_246, %dma_start3A_253] : memref<8192x1024xf32, #tpu.memory_space<hbm>> -> memref<16x1024xf32, #tpu.memory_space<hbm>>
    %dma_start3A_255 = tpu.memref_slice %arg6[%dma_start3A_248] : memref<7x!tpu.dma_semaphore, #tpu.memory_space<semaphore_mem>> -> memref<1x!tpu.dma_semaphore, #tpu.memory_space<semaphore_mem>>
    %dma_start3A_256 = tpu.memref_squeeze %dma_start3A_255 : memref<1x!tpu.dma_semaphore, #tpu.memory_space<semaphore_mem>> -> memref<!tpu.dma_semaphore, #tpu.memory_space<semaphore_mem>>
    %dma_start3A_257 = arith.constant 0 : i32
    %dma_start3A_258 = tpu.memref_slice %arg3[%add3A_246, %dma_start3A_257] : memref<8192x1024xf32, #tpu.memory_space<hbm>> -> memref<16x1024xf32, #tpu.memory_space<hbm>>
    %dma_start3A_259 = arith.constant 0 : i32
    %dma_start3A_260 = arith.constant 0 : i32
    %dma_start3A_261 = tpu.memref_slice %arg4[%dma_start3A_247, %dma_start3A_259, %dma_start3A_260] : memref<7x16x1024xf32, #tpu.memory_space<vmem>> -> memref<1x16x1024xf32, #tpu.memory_space<vmem>>
    %dma_start3A_262 = tpu.memref_squeeze %dma_start3A_261 : memref<1x16x1024xf32, #tpu.memory_space<vmem>> -> memref<16x1024xf32, #tpu.memory_space<vmem>>
    tpu.enqueue_dma source(%dma_start3A_262 : memref<16x1024xf32, #tpu.memory_space<vmem>>) target(%dma_start3A_258 : memref<16x1024xf32, #tpu.memory_space<hbm>>) target_semaphore(%dma_start3A_256 : memref<!tpu.dma_semaphore, #tpu.memory_space<semaphore_mem>>)
    %dma_wait3A_263 = arith.constant 1 : i32
    %dma_wait3A_264 = arith.constant 1 : i32
    %dma_wait3A_265 = arith.constant 0 : i32
    %dma_wait3A_266 = arith.constant 0 : i32
    %dma_wait3A_267 = tpu.memref_slice %arg4[%dma_wait3A_263, %dma_wait3A_265, %dma_wait3A_266] : memref<7x16x1024xf32, #tpu.memory_space<vmem>> -> memref<1x16x1024xf32, #tpu.memory_space<vmem>>
    %dma_wait3A_268 = tpu.memref_squeeze %dma_wait3A_267 : memref<1x16x1024xf32, #tpu.memory_space<vmem>> -> memref<16x1024xf32, #tpu.memory_space<vmem>>
    %dma_wait3A_269 = arith.constant 0 : i32
    %dma_wait3A_270 = tpu.memref_slice %arg3[%add3A_178, %dma_wait3A_269] : memref<8192x1024xf32, #tpu.memory_space<hbm>> -> memref<16x1024xf32, #tpu.memory_space<hbm>>
    %dma_wait3A_271 = tpu.memref_slice %arg6[%dma_wait3A_264] : memref<7x!tpu.dma_semaphore, #tpu.memory_space<semaphore_mem>> -> memref<1x!tpu.dma_semaphore, #tpu.memory_space<semaphore_mem>>
    %dma_wait3A_272 = tpu.memref_squeeze %dma_wait3A_271 : memref<1x!tpu.dma_semaphore, #tpu.memory_space<semaphore_mem>> -> memref<!tpu.dma_semaphore, #tpu.memory_space<semaphore_mem>>
    %dma_wait3A_273 = arith.constant 0 : i32
    %dma_wait3A_274 = tpu.memref_slice %arg3[%add3A_178, %dma_wait3A_273] : memref<8192x1024xf32, #tpu.memory_space<hbm>> -> memref<16x1024xf32, #tpu.memory_space<hbm>>
    %dma_wait3A_275 = arith.constant 0 : i32
    %dma_wait3A_276 = arith.constant 0 : i32
    %dma_wait3A_277 = tpu.memref_slice %arg4[%dma_wait3A_263, %dma_wait3A_275, %dma_wait3A_276] : memref<7x16x1024xf32, #tpu.memory_space<vmem>> -> memref<1x16x1024xf32, #tpu.memory_space<vmem>>
    %dma_wait3A_278 = tpu.memref_squeeze %dma_wait3A_277 : memref<1x16x1024xf32, #tpu.memory_space<vmem>> -> memref<16x1024xf32, #tpu.memory_space<vmem>>
    tpu.wait_dma2 semaphore(%dma_wait3A_272 : memref<!tpu.dma_semaphore, #tpu.memory_space<semaphore_mem>>) src(%dma_wait3A_278 : memref<16x1024xf32, #tpu.memory_space<vmem>>) dst(%dma_wait3A_274 : memref<16x1024xf32, #tpu.memory_space<hbm>>)
    %add3A_279 = arith.constant 128 : i32
    %add3A_280 = arith.addi %mul3A_2, %add3A_279 : i32
    %dma_start3A_281 = arith.constant 1 : i32
    %dma_start3A_282 = arith.constant 1 : i32
    %dma_start3A_283 = arith.constant 0 : i32
    %dma_start3A_284 = arith.constant 0 : i32
    %dma_start3A_285 = tpu.memref_slice %arg4[%dma_start3A_281, %dma_start3A_283, %dma_start3A_284] : memref<7x16x1024xf32, #tpu.memory_space<vmem>> -> memref<1x16x1024xf32, #tpu.memory_space<vmem>>
    %dma_start3A_286 = tpu.memref_squeeze %dma_start3A_285 : memref<1x16x1024xf32, #tpu.memory_space<vmem>> -> memref<16x1024xf32, #tpu.memory_space<vmem>>
    %dma_start3A_287 = arith.constant 0 : i32
    %dma_start3A_288 = tpu.memref_slice %arg2[%add3A_280, %dma_start3A_287] : memref<8192x1024xf32, #tpu.memory_space<hbm>> -> memref<16x1024xf32, #tpu.memory_space<hbm>>
    %dma_start3A_289 = tpu.memref_slice %arg5[%dma_start3A_282] : memref<7x!tpu.dma_semaphore, #tpu.memory_space<semaphore_mem>> -> memref<1x!tpu.dma_semaphore, #tpu.memory_space<semaphore_mem>>
    %dma_start3A_290 = tpu.memref_squeeze %dma_start3A_289 : memref<1x!tpu.dma_semaphore, #tpu.memory_space<semaphore_mem>> -> memref<!tpu.dma_semaphore, #tpu.memory_space<semaphore_mem>>
    %dma_start3A_291 = arith.constant 0 : i32
    %dma_start3A_292 = arith.constant 0 : i32
    %dma_start3A_293 = tpu.memref_slice %arg4[%dma_start3A_281, %dma_start3A_291, %dma_start3A_292] : memref<7x16x1024xf32, #tpu.memory_space<vmem>> -> memref<1x16x1024xf32, #tpu.memory_space<vmem>>
    %dma_start3A_294 = tpu.memref_squeeze %dma_start3A_293 : memref<1x16x1024xf32, #tpu.memory_space<vmem>> -> memref<16x1024xf32, #tpu.memory_space<vmem>>
    %dma_start3A_295 = arith.constant 0 : i32
    %dma_start3A_296 = tpu.memref_slice %arg2[%add3A_280, %dma_start3A_295] : memref<8192x1024xf32, #tpu.memory_space<hbm>> -> memref<16x1024xf32, #tpu.memory_space<hbm>>
    tpu.enqueue_dma source(%dma_start3A_296 : memref<16x1024xf32, #tpu.memory_space<hbm>>) target(%dma_start3A_294 : memref<16x1024xf32, #tpu.memory_space<vmem>>) target_semaphore(%dma_start3A_290 : memref<!tpu.dma_semaphore, #tpu.memory_space<semaphore_mem>>)
    %dma_wait3A_297 = arith.constant 3 : i32
    %dma_wait3A_298 = arith.constant 3 : i32
    %dma_wait3A_299 = arith.constant 0 : i32
    %dma_wait3A_300 = arith.constant 0 : i32
    %dma_wait3A_301 = tpu.memref_slice %arg4[%dma_wait3A_297, %dma_wait3A_299, %dma_wait3A_300] : memref<7x16x1024xf32, #tpu.memory_space<vmem>> -> memref<1x16x1024xf32, #tpu.memory_space<vmem>>
    %dma_wait3A_302 = tpu.memref_squeeze %dma_wait3A_301 : memref<1x16x1024xf32, #tpu.memory_space<vmem>> -> memref<16x1024xf32, #tpu.memory_space<vmem>>
    %dma_wait3A_303 = arith.constant 0 : i32
    %dma_wait3A_304 = tpu.memref_slice %arg2[%add3A_57, %dma_wait3A_303] : memref<8192x1024xf32, #tpu.memory_space<hbm>> -> memref<16x1024xf32, #tpu.memory_space<hbm>>
    %dma_wait3A_305 = tpu.memref_slice %arg5[%dma_wait3A_298] : memref<7x!tpu.dma_semaphore, #tpu.memory_space<semaphore_mem>> -> memref<1x!tpu.dma_semaphore, #tpu.memory_space<semaphore_mem>>
    %dma_wait3A_306 = tpu.memref_squeeze %dma_wait3A_305 : memref<1x!tpu.dma_semaphore, #tpu.memory_space<semaphore_mem>> -> memref<!tpu.dma_semaphore, #tpu.memory_space<semaphore_mem>>
    %dma_wait3A_307 = arith.constant 0 : i32
    %dma_wait3A_308 = arith.constant 0 : i32
    %dma_wait3A_309 = tpu.memref_slice %arg4[%dma_wait3A_297, %dma_wait3A_307, %dma_wait3A_308] : memref<7x16x1024xf32, #tpu.memory_space<vmem>> -> memref<1x16x1024xf32, #tpu.memory_space<vmem>>
    %dma_wait3A_310 = tpu.memref_squeeze %dma_wait3A_309 : memref<1x16x1024xf32, #tpu.memory_space<vmem>> -> memref<16x1024xf32, #tpu.memory_space<vmem>>
    %dma_wait3A_311 = arith.constant 0 : i32
    %dma_wait3A_312 = tpu.memref_slice %arg2[%add3A_57, %dma_wait3A_311] : memref<8192x1024xf32, #tpu.memory_space<hbm>> -> memref<16x1024xf32, #tpu.memory_space<hbm>>
    tpu.wait_dma2 semaphore(%dma_wait3A_306 : memref<!tpu.dma_semaphore, #tpu.memory_space<semaphore_mem>>) src(%dma_wait3A_312 : memref<16x1024xf32, #tpu.memory_space<hbm>>) dst(%dma_wait3A_310 : memref<16x1024xf32, #tpu.memory_space<vmem>>)
    %add3A_313 = arith.constant 48 : i32
    %add3A_314 = arith.addi %mul3A_2, %add3A_313 : i32
    %dma_start3A_315 = arith.constant 3 : i32
    %dma_start3A_316 = arith.constant 3 : i32
    %dma_start3A_317 = arith.constant 0 : i32
    %dma_start3A_318 = arith.constant 0 : i32
    %dma_start3A_319 = tpu.memref_slice %arg4[%dma_start3A_315, %dma_start3A_317, %dma_start3A_318] : memref<7x16x1024xf32, #tpu.memory_space<vmem>> -> memref<1x16x1024xf32, #tpu.memory_space<vmem>>
    %dma_start3A_320 = tpu.memref_squeeze %dma_start3A_319 : memref<1x16x1024xf32, #tpu.memory_space<vmem>> -> memref<16x1024xf32, #tpu.memory_space<vmem>>
    %dma_start3A_321 = arith.constant 0 : i32
    %dma_start3A_322 = tpu.memref_slice %arg3[%add3A_314, %dma_start3A_321] : memref<8192x1024xf32, #tpu.memory_space<hbm>> -> memref<16x1024xf32, #tpu.memory_space<hbm>>
    %dma_start3A_323 = tpu.memref_slice %arg6[%dma_start3A_316] : memref<7x!tpu.dma_semaphore, #tpu.memory_space<semaphore_mem>> -> memref<1x!tpu.dma_semaphore, #tpu.memory_space<semaphore_mem>>
    %dma_start3A_324 = tpu.memref_squeeze %dma_start3A_323 : memref<1x!tpu.dma_semaphore, #tpu.memory_space<semaphore_mem>> -> memref<!tpu.dma_semaphore, #tpu.memory_space<semaphore_mem>>
    %dma_start3A_325 = arith.constant 0 : i32
    %dma_start3A_326 = tpu.memref_slice %arg3[%add3A_314, %dma_start3A_325] : memref<8192x1024xf32, #tpu.memory_space<hbm>> -> memref<16x1024xf32, #tpu.memory_space<hbm>>
    %dma_start3A_327 = arith.constant 0 : i32
    %dma_start3A_328 = arith.constant 0 : i32
    %dma_start3A_329 = tpu.memref_slice %arg4[%dma_start3A_315, %dma_start3A_327, %dma_start3A_328] : memref<7x16x1024xf32, #tpu.memory_space<vmem>> -> memref<1x16x1024xf32, #tpu.memory_space<vmem>>
    %dma_start3A_330 = tpu.memref_squeeze %dma_start3A_329 : memref<1x16x1024xf32, #tpu.memory_space<vmem>> -> memref<16x1024xf32, #tpu.memory_space<vmem>>
    tpu.enqueue_dma source(%dma_start3A_330 : memref<16x1024xf32, #tpu.memory_space<vmem>>) target(%dma_start3A_326 : memref<16x1024xf32, #tpu.memory_space<hbm>>) target_semaphore(%dma_start3A_324 : memref<!tpu.dma_semaphore, #tpu.memory_space<semaphore_mem>>)
    %dma_wait3A_331 = arith.constant 2 : i32
    %dma_wait3A_332 = arith.constant 2 : i32
    %dma_wait3A_333 = arith.constant 0 : i32
    %dma_wait3A_334 = arith.constant 0 : i32
    %dma_wait3A_335 = tpu.memref_slice %arg4[%dma_wait3A_331, %dma_wait3A_333, %dma_wait3A_334] : memref<7x16x1024xf32, #tpu.memory_space<vmem>> -> memref<1x16x1024xf32, #tpu.memory_space<vmem>>
    %dma_wait3A_336 = tpu.memref_squeeze %dma_wait3A_335 : memref<1x16x1024xf32, #tpu.memory_space<vmem>> -> memref<16x1024xf32, #tpu.memory_space<vmem>>
    %dma_wait3A_337 = arith.constant 0 : i32
    %dma_wait3A_338 = tpu.memref_slice %arg3[%add3A_246, %dma_wait3A_337] : memref<8192x1024xf32, #tpu.memory_space<hbm>> -> memref<16x1024xf32, #tpu.memory_space<hbm>>
    %dma_wait3A_339 = tpu.memref_slice %arg6[%dma_wait3A_332] : memref<7x!tpu.dma_semaphore, #tpu.memory_space<semaphore_mem>> -> memref<1x!tpu.dma_semaphore, #tpu.memory_space<semaphore_mem>>
    %dma_wait3A_340 = tpu.memref_squeeze %dma_wait3A_339 : memref<1x!tpu.dma_semaphore, #tpu.memory_space<semaphore_mem>> -> memref<!tpu.dma_semaphore, #tpu.memory_space<semaphore_mem>>
    %dma_wait3A_341 = arith.constant 0 : i32
    %dma_wait3A_342 = tpu.memref_slice %arg3[%add3A_246, %dma_wait3A_341] : memref<8192x1024xf32, #tpu.memory_space<hbm>> -> memref<16x1024xf32, #tpu.memory_space<hbm>>
    %dma_wait3A_343 = arith.constant 0 : i32
    %dma_wait3A_344 = arith.constant 0 : i32
    %dma_wait3A_345 = tpu.memref_slice %arg4[%dma_wait3A_331, %dma_wait3A_343, %dma_wait3A_344] : memref<7x16x1024xf32, #tpu.memory_space<vmem>> -> memref<1x16x1024xf32, #tpu.memory_space<vmem>>
    %dma_wait3A_346 = tpu.memref_squeeze %dma_wait3A_345 : memref<1x16x1024xf32, #tpu.memory_space<vmem>> -> memref<16x1024xf32, #tpu.memory_space<vmem>>
    tpu.wait_dma2 semaphore(%dma_wait3A_340 : memref<!tpu.dma_semaphore, #tpu.memory_space<semaphore_mem>>) src(%dma_wait3A_346 : memref<16x1024xf32, #tpu.memory_space<vmem>>) dst(%dma_wait3A_342 : memref<16x1024xf32, #tpu.memory_space<hbm>>)
    %add3A_347 = arith.constant 144 : i32
    %add3A_348 = arith.addi %mul3A_2, %add3A_347 : i32
    %dma_start3A_349 = arith.constant 2 : i32
    %dma_start3A_350 = arith.constant 2 : i32
    %dma_start3A_351 = arith.constant 0 : i32
    %dma_start3A_352 = arith.constant 0 : i32
    %dma_start3A_353 = tpu.memref_slice %arg4[%dma_start3A_349, %dma_start3A_351, %dma_start3A_352] : memref<7x16x1024xf32, #tpu.memory_space<vmem>> -> memref<1x16x1024xf32, #tpu.memory_space<vmem>>
    %dma_start3A_354 = tpu.memref_squeeze %dma_start3A_353 : memref<1x16x1024xf32, #tpu.memory_space<vmem>> -> memref<16x1024xf32, #tpu.memory_space<vmem>>
    %dma_start3A_355 = arith.constant 0 : i32
    %dma_start3A_356 = tpu.memref_slice %arg2[%add3A_348, %dma_start3A_355] : memref<8192x1024xf32, #tpu.memory_space<hbm>> -> memref<16x1024xf32, #tpu.memory_space<hbm>>
    %dma_start3A_357 = tpu.memref_slice %arg5[%dma_start3A_350] : memref<7x!tpu.dma_semaphore, #tpu.memory_space<semaphore_mem>> -> memref<1x!tpu.dma_semaphore, #tpu.memory_space<semaphore_mem>>
    %dma_start3A_358 = tpu.memref_squeeze %dma_start3A_357 : memref<1x!tpu.dma_semaphore, #tpu.memory_space<semaphore_mem>> -> memref<!tpu.dma_semaphore, #tpu.memory_space<semaphore_mem>>
    %dma_start3A_359 = arith.constant 0 : i32
    %dma_start3A_360 = arith.constant 0 : i32
    %dma_start3A_361 = tpu.memref_slice %arg4[%dma_start3A_349, %dma_start3A_359, %dma_start3A_360] : memref<7x16x1024xf32, #tpu.memory_space<vmem>> -> memref<1x16x1024xf32, #tpu.memory_space<vmem>>
    %dma_start3A_362 = tpu.memref_squeeze %dma_start3A_361 : memref<1x16x1024xf32, #tpu.memory_space<vmem>> -> memref<16x1024xf32, #tpu.memory_space<vmem>>
    %dma_start3A_363 = arith.constant 0 : i32
    %dma_start3A_364 = tpu.memref_slice %arg2[%add3A_348, %dma_start3A_363] : memref<8192x1024xf32, #tpu.memory_space<hbm>> -> memref<16x1024xf32, #tpu.memory_space<hbm>>
    tpu.enqueue_dma source(%dma_start3A_364 : memref<16x1024xf32, #tpu.memory_space<hbm>>) target(%dma_start3A_362 : memref<16x1024xf32, #tpu.memory_space<vmem>>) target_semaphore(%dma_start3A_358 : memref<!tpu.dma_semaphore, #tpu.memory_space<semaphore_mem>>)
    %dma_wait3A_365 = arith.constant 4 : i32
    %dma_wait3A_366 = arith.constant 4 : i32
    %dma_wait3A_367 = arith.constant 0 : i32
    %dma_wait3A_368 = arith.constant 0 : i32
    %dma_wait3A_369 = tpu.memref_slice %arg4[%dma_wait3A_365, %dma_wait3A_367, %dma_wait3A_368] : memref<7x16x1024xf32, #tpu.memory_space<vmem>> -> memref<1x16x1024xf32, #tpu.memory_space<vmem>>
    %dma_wait3A_370 = tpu.memref_squeeze %dma_wait3A_369 : memref<1x16x1024xf32, #tpu.memory_space<vmem>> -> memref<16x1024xf32, #tpu.memory_space<vmem>>
    %dma_wait3A_371 = arith.constant 0 : i32
    %dma_wait3A_372 = tpu.memref_slice %arg2[%add3A_75, %dma_wait3A_371] : memref<8192x1024xf32, #tpu.memory_space<hbm>> -> memref<16x1024xf32, #tpu.memory_space<hbm>>
    %dma_wait3A_373 = tpu.memref_slice %arg5[%dma_wait3A_366] : memref<7x!tpu.dma_semaphore, #tpu.memory_space<semaphore_mem>> -> memref<1x!tpu.dma_semaphore, #tpu.memory_space<semaphore_mem>>
    %dma_wait3A_374 = tpu.memref_squeeze %dma_wait3A_373 : memref<1x!tpu.dma_semaphore, #tpu.memory_space<semaphore_mem>> -> memref<!tpu.dma_semaphore, #tpu.memory_space<semaphore_mem>>
    %dma_wait3A_375 = arith.constant 0 : i32
    %dma_wait3A_376 = arith.constant 0 : i32
    %dma_wait3A_377 = tpu.memref_slice %arg4[%dma_wait3A_365, %dma_wait3A_375, %dma_wait3A_376] : memref<7x16x1024xf32, #tpu.memory_space<vmem>> -> memref<1x16x1024xf32, #tpu.memory_space<vmem>>
    %dma_wait3A_378 = tpu.memref_squeeze %dma_wait3A_377 : memref<1x16x1024xf32, #tpu.memory_space<vmem>> -> memref<16x1024xf32, #tpu.memory_space<vmem>>
    %dma_wait3A_379 = arith.constant 0 : i32
    %dma_wait3A_380 = tpu.memref_slice %arg2[%add3A_75, %dma_wait3A_379] : memref<8192x1024xf32, #tpu.memory_space<hbm>> -> memref<16x1024xf32, #tpu.memory_space<hbm>>
    tpu.wait_dma2 semaphore(%dma_wait3A_374 : memref<!tpu.dma_semaphore, #tpu.memory_space<semaphore_mem>>) src(%dma_wait3A_380 : memref<16x1024xf32, #tpu.memory_space<hbm>>) dst(%dma_wait3A_378 : memref<16x1024xf32, #tpu.memory_space<vmem>>)
    %add3A_381 = arith.constant 64 : i32
    %add3A_382 = arith.addi %mul3A_2, %add3A_381 : i32
    %dma_start3A_383 = arith.constant 4 : i32
    %dma_start3A_384 = arith.constant 4 : i32
    %dma_start3A_385 = arith.constant 0 : i32
    %dma_start3A_386 = arith.constant 0 : i32
    %dma_start3A_387 = tpu.memref_slice %arg4[%dma_start3A_383, %dma_start3A_385, %dma_start3A_386] : memref<7x16x1024xf32, #tpu.memory_space<vmem>> -> memref<1x16x1024xf32, #tpu.memory_space<vmem>>
    %dma_start3A_388 = tpu.memref_squeeze %dma_start3A_387 : memref<1x16x1024xf32, #tpu.memory_space<vmem>> -> memref<16x1024xf32, #tpu.memory_space<vmem>>
    %dma_start3A_389 = arith.constant 0 : i32
    %dma_start3A_390 = tpu.memref_slice %arg3[%add3A_382, %dma_start3A_389] : memref<8192x1024xf32, #tpu.memory_space<hbm>> -> memref<16x1024xf32, #tpu.memory_space<hbm>>
    %dma_start3A_391 = tpu.memref_slice %arg6[%dma_start3A_384] : memref<7x!tpu.dma_semaphore, #tpu.memory_space<semaphore_mem>> -> memref<1x!tpu.dma_semaphore, #tpu.memory_space<semaphore_mem>>
    %dma_start3A_392 = tpu.memref_squeeze %dma_start3A_391 : memref<1x!tpu.dma_semaphore, #tpu.memory_space<semaphore_mem>> -> memref<!tpu.dma_semaphore, #tpu.memory_space<semaphore_mem>>
    %dma_start3A_393 = arith.constant 0 : i32
    %dma_start3A_394 = tpu.memref_slice %arg3[%add3A_382, %dma_start3A_393] : memref<8192x1024xf32, #tpu.memory_space<hbm>> -> memref<16x1024xf32, #tpu.memory_space<hbm>>
    %dma_start3A_395 = arith.constant 0 : i32
    %dma_start3A_396 = arith.constant 0 : i32
    %dma_start3A_397 = tpu.memref_slice %arg4[%dma_start3A_383, %dma_start3A_395, %dma_start3A_396] : memref<7x16x1024xf32, #tpu.memory_space<vmem>> -> memref<1x16x1024xf32, #tpu.memory_space<vmem>>
    %dma_start3A_398 = tpu.memref_squeeze %dma_start3A_397 : memref<1x16x1024xf32, #tpu.memory_space<vmem>> -> memref<16x1024xf32, #tpu.memory_space<vmem>>
    tpu.enqueue_dma source(%dma_start3A_398 : memref<16x1024xf32, #tpu.memory_space<vmem>>) target(%dma_start3A_394 : memref<16x1024xf32, #tpu.memory_space<hbm>>) target_semaphore(%dma_start3A_392 : memref<!tpu.dma_semaphore, #tpu.memory_space<semaphore_mem>>)
    %dma_wait3A_399 = arith.constant 3 : i32
    %dma_wait3A_400 = arith.constant 3 : i32
    %dma_wait3A_401 = arith.constant 0 : i32
    %dma_wait3A_402 = arith.constant 0 : i32
    %dma_wait3A_403 = tpu.memref_slice %arg4[%dma_wait3A_399, %dma_wait3A_401, %dma_wait3A_402] : memref<7x16x1024xf32, #tpu.memory_space<vmem>> -> memref<1x16x1024xf32, #tpu.memory_space<vmem>>
    %dma_wait3A_404 = tpu.memref_squeeze %dma_wait3A_403 : memref<1x16x1024xf32, #tpu.memory_space<vmem>> -> memref<16x1024xf32, #tpu.memory_space<vmem>>
    %dma_wait3A_405 = arith.constant 0 : i32
    %dma_wait3A_406 = tpu.memref_slice %arg3[%add3A_314, %dma_wait3A_405] : memref<8192x1024xf32, #tpu.memory_space<hbm>> -> memref<16x1024xf32, #tpu.memory_space<hbm>>
    %dma_wait3A_407 = tpu.memref_slice %arg6[%dma_wait3A_400] : memref<7x!tpu.dma_semaphore, #tpu.memory_space<semaphore_mem>> -> memref<1x!tpu.dma_semaphore, #tpu.memory_space<semaphore_mem>>
    %dma_wait3A_408 = tpu.memref_squeeze %dma_wait3A_407 : memref<1x!tpu.dma_semaphore, #tpu.memory_space<semaphore_mem>> -> memref<!tpu.dma_semaphore, #tpu.memory_space<semaphore_mem>>
    %dma_wait3A_409 = arith.constant 0 : i32
    %dma_wait3A_410 = tpu.memref_slice %arg3[%add3A_314, %dma_wait3A_409] : memref<8192x1024xf32, #tpu.memory_space<hbm>> -> memref<16x1024xf32, #tpu.memory_space<hbm>>
    %dma_wait3A_411 = arith.constant 0 : i32
    %dma_wait3A_412 = arith.constant 0 : i32
    %dma_wait3A_413 = tpu.memref_slice %arg4[%dma_wait3A_399, %dma_wait3A_411, %dma_wait3A_412] : memref<7x16x1024xf32, #tpu.memory_space<vmem>> -> memref<1x16x1024xf32, #tpu.memory_space<vmem>>
    %dma_wait3A_414 = tpu.memref_squeeze %dma_wait3A_413 : memref<1x16x1024xf32, #tpu.memory_space<vmem>> -> memref<16x1024xf32, #tpu.memory_space<vmem>>
    tpu.wait_dma2 semaphore(%dma_wait3A_408 : memref<!tpu.dma_semaphore, #tpu.memory_space<semaphore_mem>>) src(%dma_wait3A_414 : memref<16x1024xf32, #tpu.memory_space<vmem>>) dst(%dma_wait3A_410 : memref<16x1024xf32, #tpu.memory_space<hbm>>)
    %add3A_415 = arith.constant 160 : i32
    %add3A_416 = arith.addi %mul3A_2, %add3A_415 : i32
    %dma_start3A_417 = arith.constant 3 : i32
    %dma_start3A_418 = arith.constant 3 : i32
    %dma_start3A_419 = arith.constant 0 : i32
    %dma_start3A_420 = arith.constant 0 : i32
    %dma_start3A_421 = tpu.memref_slice %arg4[%dma_start3A_417, %dma_start3A_419, %dma_start3A_420] : memref<7x16x1024xf32, #tpu.memory_space<vmem>> -> memref<1x16x1024xf32, #tpu.memory_space<vmem>>
    %dma_start3A_422 = tpu.memref_squeeze %dma_start3A_421 : memref<1x16x1024xf32, #tpu.memory_space<vmem>> -> memref<16x1024xf32, #tpu.memory_space<vmem>>
    %dma_start3A_423 = arith.constant 0 : i32
    %dma_start3A_424 = tpu.memref_slice %arg2[%add3A_416, %dma_start3A_423] : memref<8192x1024xf32, #tpu.memory_space<hbm>> -> memref<16x1024xf32, #tpu.memory_space<hbm>>
    %dma_start3A_425 = tpu.memref_slice %arg5[%dma_start3A_418] : memref<7x!tpu.dma_semaphore, #tpu.memory_space<semaphore_mem>> -> memref<1x!tpu.dma_semaphore, #tpu.memory_space<semaphore_mem>>
    %dma_start3A_426 = tpu.memref_squeeze %dma_start3A_425 : memref<1x!tpu.dma_semaphore, #tpu.memory_space<semaphore_mem>> -> memref<!tpu.dma_semaphore, #tpu.memory_space<semaphore_mem>>
    %dma_start3A_427 = arith.constant 0 : i32
    %dma_start3A_428 = arith.constant 0 : i32
    %dma_start3A_429 = tpu.memref_slice %arg4[%dma_start3A_417, %dma_start3A_427, %dma_start3A_428] : memref<7x16x1024xf32, #tpu.memory_space<vmem>> -> memref<1x16x1024xf32, #tpu.memory_space<vmem>>
    %dma_start3A_430 = tpu.memref_squeeze %dma_start3A_429 : memref<1x16x1024xf32, #tpu.memory_space<vmem>> -> memref<16x1024xf32, #tpu.memory_space<vmem>>
    %dma_start3A_431 = arith.constant 0 : i32
    %dma_start3A_432 = tpu.memref_slice %arg2[%add3A_416, %dma_start3A_431] : memref<8192x1024xf32, #tpu.memory_space<hbm>> -> memref<16x1024xf32, #tpu.memory_space<hbm>>
    tpu.enqueue_dma source(%dma_start3A_432 : memref<16x1024xf32, #tpu.memory_space<hbm>>) target(%dma_start3A_430 : memref<16x1024xf32, #tpu.memory_space<vmem>>) target_semaphore(%dma_start3A_426 : memref<!tpu.dma_semaphore, #tpu.memory_space<semaphore_mem>>)
    %dma_wait3A_433 = arith.constant 5 : i32
    %dma_wait3A_434 = arith.constant 5 : i32
    %dma_wait3A_435 = arith.constant 0 : i32
    %dma_wait3A_436 = arith.constant 0 : i32
    %dma_wait3A_437 = tpu.memref_slice %arg4[%dma_wait3A_433, %dma_wait3A_435, %dma_wait3A_436] : memref<7x16x1024xf32, #tpu.memory_space<vmem>> -> memref<1x16x1024xf32, #tpu.memory_space<vmem>>
    %dma_wait3A_438 = tpu.memref_squeeze %dma_wait3A_437 : memref<1x16x1024xf32, #tpu.memory_space<vmem>> -> memref<16x1024xf32, #tpu.memory_space<vmem>>
    %dma_wait3A_439 = arith.constant 0 : i32
    %dma_wait3A_440 = tpu.memref_slice %arg2[%add3A_93, %dma_wait3A_439] : memref<8192x1024xf32, #tpu.memory_space<hbm>> -> memref<16x1024xf32, #tpu.memory_space<hbm>>
    %dma_wait3A_441 = tpu.memref_slice %arg5[%dma_wait3A_434] : memref<7x!tpu.dma_semaphore, #tpu.memory_space<semaphore_mem>> -> memref<1x!tpu.dma_semaphore, #tpu.memory_space<semaphore_mem>>
    %dma_wait3A_442 = tpu.memref_squeeze %dma_wait3A_441 : memref<1x!tpu.dma_semaphore, #tpu.memory_space<semaphore_mem>> -> memref<!tpu.dma_semaphore, #tpu.memory_space<semaphore_mem>>
    %dma_wait3A_443 = arith.constant 0 : i32
    %dma_wait3A_444 = arith.constant 0 : i32
    %dma_wait3A_445 = tpu.memref_slice %arg4[%dma_wait3A_433, %dma_wait3A_443, %dma_wait3A_444] : memref<7x16x1024xf32, #tpu.memory_space<vmem>> -> memref<1x16x1024xf32, #tpu.memory_space<vmem>>
    %dma_wait3A_446 = tpu.memref_squeeze %dma_wait3A_445 : memref<1x16x1024xf32, #tpu.memory_space<vmem>> -> memref<16x1024xf32, #tpu.memory_space<vmem>>
    %dma_wait3A_447 = arith.constant 0 : i32
    %dma_wait3A_448 = tpu.memref_slice %arg2[%add3A_93, %dma_wait3A_447] : memref<8192x1024xf32, #tpu.memory_space<hbm>> -> memref<16x1024xf32, #tpu.memory_space<hbm>>
    tpu.wait_dma2 semaphore(%dma_wait3A_442 : memref<!tpu.dma_semaphore, #tpu.memory_space<semaphore_mem>>) src(%dma_wait3A_448 : memref<16x1024xf32, #tpu.memory_space<hbm>>) dst(%dma_wait3A_446 : memref<16x1024xf32, #tpu.memory_space<vmem>>)
    %add3A_449 = arith.constant 80 : i32
    %add3A_450 = arith.addi %mul3A_2, %add3A_449 : i32
    %dma_start3A_451 = arith.constant 5 : i32
    %dma_start3A_452 = arith.constant 5 : i32
    %dma_start3A_453 = arith.constant 0 : i32
    %dma_start3A_454 = arith.constant 0 : i32
    %dma_start3A_455 = tpu.memref_slice %arg4[%dma_start3A_451, %dma_start3A_453, %dma_start3A_454] : memref<7x16x1024xf32, #tpu.memory_space<vmem>> -> memref<1x16x1024xf32, #tpu.memory_space<vmem>>
    %dma_start3A_456 = tpu.memref_squeeze %dma_start3A_455 : memref<1x16x1024xf32, #tpu.memory_space<vmem>> -> memref<16x1024xf32, #tpu.memory_space<vmem>>
    %dma_start3A_457 = arith.constant 0 : i32
    %dma_start3A_458 = tpu.memref_slice %arg3[%add3A_450, %dma_start3A_457] : memref<8192x1024xf32, #tpu.memory_space<hbm>> -> memref<16x1024xf32, #tpu.memory_space<hbm>>
    %dma_start3A_459 = tpu.memref_slice %arg6[%dma_start3A_452] : memref<7x!tpu.dma_semaphore, #tpu.memory_space<semaphore_mem>> -> memref<1x!tpu.dma_semaphore, #tpu.memory_space<semaphore_mem>>
    %dma_start3A_460 = tpu.memref_squeeze %dma_start3A_459 : memref<1x!tpu.dma_semaphore, #tpu.memory_space<semaphore_mem>> -> memref<!tpu.dma_semaphore, #tpu.memory_space<semaphore_mem>>
    %dma_start3A_461 = arith.constant 0 : i32
    %dma_start3A_462 = tpu.memref_slice %arg3[%add3A_450, %dma_start3A_461] : memref<8192x1024xf32, #tpu.memory_space<hbm>> -> memref<16x1024xf32, #tpu.memory_space<hbm>>
    %dma_start3A_463 = arith.constant 0 : i32
    %dma_start3A_464 = arith.constant 0 : i32
    %dma_start3A_465 = tpu.memref_slice %arg4[%dma_start3A_451, %dma_start3A_463, %dma_start3A_464] : memref<7x16x1024xf32, #tpu.memory_space<vmem>> -> memref<1x16x1024xf32, #tpu.memory_space<vmem>>
    %dma_start3A_466 = tpu.memref_squeeze %dma_start3A_465 : memref<1x16x1024xf32, #tpu.memory_space<vmem>> -> memref<16x1024xf32, #tpu.memory_space<vmem>>
    tpu.enqueue_dma source(%dma_start3A_466 : memref<16x1024xf32, #tpu.memory_space<vmem>>) target(%dma_start3A_462 : memref<16x1024xf32, #tpu.memory_space<hbm>>) target_semaphore(%dma_start3A_460 : memref<!tpu.dma_semaphore, #tpu.memory_space<semaphore_mem>>)
    %dma_wait3A_467 = arith.constant 4 : i32
    %dma_wait3A_468 = arith.constant 4 : i32
    %dma_wait3A_469 = arith.constant 0 : i32
    %dma_wait3A_470 = arith.constant 0 : i32
    %dma_wait3A_471 = tpu.memref_slice %arg4[%dma_wait3A_467, %dma_wait3A_469, %dma_wait3A_470] : memref<7x16x1024xf32, #tpu.memory_space<vmem>> -> memref<1x16x1024xf32, #tpu.memory_space<vmem>>
    %dma_wait3A_472 = tpu.memref_squeeze %dma_wait3A_471 : memref<1x16x1024xf32, #tpu.memory_space<vmem>> -> memref<16x1024xf32, #tpu.memory_space<vmem>>
    %dma_wait3A_473 = arith.constant 0 : i32
    %dma_wait3A_474 = tpu.memref_slice %arg3[%add3A_382, %dma_wait3A_473] : memref<8192x1024xf32, #tpu.memory_space<hbm>> -> memref<16x1024xf32, #tpu.memory_space<hbm>>
    %dma_wait3A_475 = tpu.memref_slice %arg6[%dma_wait3A_468] : memref<7x!tpu.dma_semaphore, #tpu.memory_space<semaphore_mem>> -> memref<1x!tpu.dma_semaphore, #tpu.memory_space<semaphore_mem>>
    %dma_wait3A_476 = tpu.memref_squeeze %dma_wait3A_475 : memref<1x!tpu.dma_semaphore, #tpu.memory_space<semaphore_mem>> -> memref<!tpu.dma_semaphore, #tpu.memory_space<semaphore_mem>>
    %dma_wait3A_477 = arith.constant 0 : i32
    %dma_wait3A_478 = tpu.memref_slice %arg3[%add3A_382, %dma_wait3A_477] : memref<8192x1024xf32, #tpu.memory_space<hbm>> -> memref<16x1024xf32, #tpu.memory_space<hbm>>
    %dma_wait3A_479 = arith.constant 0 : i32
    %dma_wait3A_480 = arith.constant 0 : i32
    %dma_wait3A_481 = tpu.memref_slice %arg4[%dma_wait3A_467, %dma_wait3A_479, %dma_wait3A_480] : memref<7x16x1024xf32, #tpu.memory_space<vmem>> -> memref<1x16x1024xf32, #tpu.memory_space<vmem>>
    %dma_wait3A_482 = tpu.memref_squeeze %dma_wait3A_481 : memref<1x16x1024xf32, #tpu.memory_space<vmem>> -> memref<16x1024xf32, #tpu.memory_space<vmem>>
    tpu.wait_dma2 semaphore(%dma_wait3A_476 : memref<!tpu.dma_semaphore, #tpu.memory_space<semaphore_mem>>) src(%dma_wait3A_482 : memref<16x1024xf32, #tpu.memory_space<vmem>>) dst(%dma_wait3A_478 : memref<16x1024xf32, #tpu.memory_space<hbm>>)
    %add3A_483 = arith.constant 176 : i32
    %add3A_484 = arith.addi %mul3A_2, %add3A_483 : i32
    %dma_start3A_485 = arith.constant 4 : i32
    %dma_start3A_486 = arith.constant 4 : i32
    %dma_start3A_487 = arith.constant 0 : i32
    %dma_start3A_488 = arith.constant 0 : i32
    %dma_start3A_489 = tpu.memref_slice %arg4[%dma_start3A_485, %dma_start3A_487, %dma_start3A_488] : memref<7x16x1024xf32, #tpu.memory_space<vmem>> -> memref<1x16x1024xf32, #tpu.memory_space<vmem>>
    %dma_start3A_490 = tpu.memref_squeeze %dma_start3A_489 : memref<1x16x1024xf32, #tpu.memory_space<vmem>> -> memref<16x1024xf32, #tpu.memory_space<vmem>>
    %dma_start3A_491 = arith.constant 0 : i32
    %dma_start3A_492 = tpu.memref_slice %arg2[%add3A_484, %dma_start3A_491] : memref<8192x1024xf32, #tpu.memory_space<hbm>> -> memref<16x1024xf32, #tpu.memory_space<hbm>>
    %dma_start3A_493 = tpu.memref_slice %arg5[%dma_start3A_486] : memref<7x!tpu.dma_semaphore, #tpu.memory_space<semaphore_mem>> -> memref<1x!tpu.dma_semaphore, #tpu.memory_space<semaphore_mem>>
    %dma_start3A_494 = tpu.memref_squeeze %dma_start3A_493 : memref<1x!tpu.dma_semaphore, #tpu.memory_space<semaphore_mem>> -> memref<!tpu.dma_semaphore, #tpu.memory_space<semaphore_mem>>
    %dma_start3A_495 = arith.constant 0 : i32
    %dma_start3A_496 = arith.constant 0 : i32
    %dma_start3A_497 = tpu.memref_slice %arg4[%dma_start3A_485, %dma_start3A_495, %dma_start3A_496] : memref<7x16x1024xf32, #tpu.memory_space<vmem>> -> memref<1x16x1024xf32, #tpu.memory_space<vmem>>
    %dma_start3A_498 = tpu.memref_squeeze %dma_start3A_497 : memref<1x16x1024xf32, #tpu.memory_space<vmem>> -> memref<16x1024xf32, #tpu.memory_space<vmem>>
    %dma_start3A_499 = arith.constant 0 : i32
    %dma_start3A_500 = tpu.memref_slice %arg2[%add3A_484, %dma_start3A_499] : memref<8192x1024xf32, #tpu.memory_space<hbm>> -> memref<16x1024xf32, #tpu.memory_space<hbm>>
    tpu.enqueue_dma source(%dma_start3A_500 : memref<16x1024xf32, #tpu.memory_space<hbm>>) target(%dma_start3A_498 : memref<16x1024xf32, #tpu.memory_space<vmem>>) target_semaphore(%dma_start3A_494 : memref<!tpu.dma_semaphore, #tpu.memory_space<semaphore_mem>>)
    %dma_wait3A_501 = arith.constant 6 : i32
    %dma_wait3A_502 = arith.constant 6 : i32
    %dma_wait3A_503 = arith.constant 0 : i32
    %dma_wait3A_504 = arith.constant 0 : i32
    %dma_wait3A_505 = tpu.memref_slice %arg4[%dma_wait3A_501, %dma_wait3A_503, %dma_wait3A_504] : memref<7x16x1024xf32, #tpu.memory_space<vmem>> -> memref<1x16x1024xf32, #tpu.memory_space<vmem>>
    %dma_wait3A_506 = tpu.memref_squeeze %dma_wait3A_505 : memref<1x16x1024xf32, #tpu.memory_space<vmem>> -> memref<16x1024xf32, #tpu.memory_space<vmem>>
    %dma_wait3A_507 = arith.constant 0 : i32
    %dma_wait3A_508 = tpu.memref_slice %arg2[%add3A_111, %dma_wait3A_507] : memref<8192x1024xf32, #tpu.memory_space<hbm>> -> memref<16x1024xf32, #tpu.memory_space<hbm>>
    %dma_wait3A_509 = tpu.memref_slice %arg5[%dma_wait3A_502] : memref<7x!tpu.dma_semaphore, #tpu.memory_space<semaphore_mem>> -> memref<1x!tpu.dma_semaphore, #tpu.memory_space<semaphore_mem>>
    %dma_wait3A_510 = tpu.memref_squeeze %dma_wait3A_509 : memref<1x!tpu.dma_semaphore, #tpu.memory_space<semaphore_mem>> -> memref<!tpu.dma_semaphore, #tpu.memory_space<semaphore_mem>>
    %dma_wait3A_511 = arith.constant 0 : i32
    %dma_wait3A_512 = arith.constant 0 : i32
    %dma_wait3A_513 = tpu.memref_slice %arg4[%dma_wait3A_501, %dma_wait3A_511, %dma_wait3A_512] : memref<7x16x1024xf32, #tpu.memory_space<vmem>> -> memref<1x16x1024xf32, #tpu.memory_space<vmem>>
    %dma_wait3A_514 = tpu.memref_squeeze %dma_wait3A_513 : memref<1x16x1024xf32, #tpu.memory_space<vmem>> -> memref<16x1024xf32, #tpu.memory_space<vmem>>
    %dma_wait3A_515 = arith.constant 0 : i32
    %dma_wait3A_516 = tpu.memref_slice %arg2[%add3A_111, %dma_wait3A_515] : memref<8192x1024xf32, #tpu.memory_space<hbm>> -> memref<16x1024xf32, #tpu.memory_space<hbm>>
    tpu.wait_dma2 semaphore(%dma_wait3A_510 : memref<!tpu.dma_semaphore, #tpu.memory_space<semaphore_mem>>) src(%dma_wait3A_516 : memref<16x1024xf32, #tpu.memory_space<hbm>>) dst(%dma_wait3A_514 : memref<16x1024xf32, #tpu.memory_space<vmem>>)
    %add3A_517 = arith.constant 96 : i32
    %add3A_518 = arith.addi %mul3A_2, %add3A_517 : i32
    %dma_start3A_519 = arith.constant 6 : i32
    %dma_start3A_520 = arith.constant 6 : i32
    %dma_start3A_521 = arith.constant 0 : i32
    %dma_start3A_522 = arith.constant 0 : i32
    %dma_start3A_523 = tpu.memref_slice %arg4[%dma_start3A_519, %dma_start3A_521, %dma_start3A_522] : memref<7x16x1024xf32, #tpu.memory_space<vmem>> -> memref<1x16x1024xf32, #tpu.memory_space<vmem>>
    %dma_start3A_524 = tpu.memref_squeeze %dma_start3A_523 : memref<1x16x1024xf32, #tpu.memory_space<vmem>> -> memref<16x1024xf32, #tpu.memory_space<vmem>>
    %dma_start3A_525 = arith.constant 0 : i32
    %dma_start3A_526 = tpu.memref_slice %arg3[%add3A_518, %dma_start3A_525] : memref<8192x1024xf32, #tpu.memory_space<hbm>> -> memref<16x1024xf32, #tpu.memory_space<hbm>>
    %dma_start3A_527 = tpu.memref_slice %arg6[%dma_start3A_520] : memref<7x!tpu.dma_semaphore, #tpu.memory_space<semaphore_mem>> -> memref<1x!tpu.dma_semaphore, #tpu.memory_space<semaphore_mem>>
    %dma_start3A_528 = tpu.memref_squeeze %dma_start3A_527 : memref<1x!tpu.dma_semaphore, #tpu.memory_space<semaphore_mem>> -> memref<!tpu.dma_semaphore, #tpu.memory_space<semaphore_mem>>
    %dma_start3A_529 = arith.constant 0 : i32
    %dma_start3A_530 = tpu.memref_slice %arg3[%add3A_518, %dma_start3A_529] : memref<8192x1024xf32, #tpu.memory_space<hbm>> -> memref<16x1024xf32, #tpu.memory_space<hbm>>
    %dma_start3A_531 = arith.constant 0 : i32
    %dma_start3A_532 = arith.constant 0 : i32
    %dma_start3A_533 = tpu.memref_slice %arg4[%dma_start3A_519, %dma_start3A_531, %dma_start3A_532] : memref<7x16x1024xf32, #tpu.memory_space<vmem>> -> memref<1x16x1024xf32, #tpu.memory_space<vmem>>
    %dma_start3A_534 = tpu.memref_squeeze %dma_start3A_533 : memref<1x16x1024xf32, #tpu.memory_space<vmem>> -> memref<16x1024xf32, #tpu.memory_space<vmem>>
    tpu.enqueue_dma source(%dma_start3A_534 : memref<16x1024xf32, #tpu.memory_space<vmem>>) target(%dma_start3A_530 : memref<16x1024xf32, #tpu.memory_space<hbm>>) target_semaphore(%dma_start3A_528 : memref<!tpu.dma_semaphore, #tpu.memory_space<semaphore_mem>>)
    %dma_wait3A_535 = arith.constant 5 : i32
    %dma_wait3A_536 = arith.constant 5 : i32
    %dma_wait3A_537 = arith.constant 0 : i32
    %dma_wait3A_538 = arith.constant 0 : i32
    %dma_wait3A_539 = tpu.memref_slice %arg4[%dma_wait3A_535, %dma_wait3A_537, %dma_wait3A_538] : memref<7x16x1024xf32, #tpu.memory_space<vmem>> -> memref<1x16x1024xf32, #tpu.memory_space<vmem>>
    %dma_wait3A_540 = tpu.memref_squeeze %dma_wait3A_539 : memref<1x16x1024xf32, #tpu.memory_space<vmem>> -> memref<16x1024xf32, #tpu.memory_space<vmem>>
    %dma_wait3A_541 = arith.constant 0 : i32
    %dma_wait3A_542 = tpu.memref_slice %arg3[%add3A_450, %dma_wait3A_541] : memref<8192x1024xf32, #tpu.memory_space<hbm>> -> memref<16x1024xf32, #tpu.memory_space<hbm>>
    %dma_wait3A_543 = tpu.memref_slice %arg6[%dma_wait3A_536] : memref<7x!tpu.dma_semaphore, #tpu.memory_space<semaphore_mem>> -> memref<1x!tpu.dma_semaphore, #tpu.memory_space<semaphore_mem>>
    %dma_wait3A_544 = tpu.memref_squeeze %dma_wait3A_543 : memref<1x!tpu.dma_semaphore, #tpu.memory_space<semaphore_mem>> -> memref<!tpu.dma_semaphore, #tpu.memory_space<semaphore_mem>>
    %dma_wait3A_545 = arith.constant 0 : i32
    %dma_wait3A_546 = tpu.memref_slice %arg3[%add3A_450, %dma_wait3A_545] : memref<8192x1024xf32, #tpu.memory_space<hbm>> -> memref<16x1024xf32, #tpu.memory_space<hbm>>
    %dma_wait3A_547 = arith.constant 0 : i32
    %dma_wait3A_548 = arith.constant 0 : i32
    %dma_wait3A_549 = tpu.memref_slice %arg4[%dma_wait3A_535, %dma_wait3A_547, %dma_wait3A_548] : memref<7x16x1024xf32, #tpu.memory_space<vmem>> -> memref<1x16x1024xf32, #tpu.memory_space<vmem>>
    %dma_wait3A_550 = tpu.memref_squeeze %dma_wait3A_549 : memref<1x16x1024xf32, #tpu.memory_space<vmem>> -> memref<16x1024xf32, #tpu.memory_space<vmem>>
    tpu.wait_dma2 semaphore(%dma_wait3A_544 : memref<!tpu.dma_semaphore, #tpu.memory_space<semaphore_mem>>) src(%dma_wait3A_550 : memref<16x1024xf32, #tpu.memory_space<vmem>>) dst(%dma_wait3A_546 : memref<16x1024xf32, #tpu.memory_space<hbm>>)
    %add3A_551 = arith.constant 192 : i32
    %add3A_552 = arith.addi %mul3A_2, %add3A_551 : i32
    %dma_start3A_553 = arith.constant 5 : i32
    %dma_start3A_554 = arith.constant 5 : i32
    %dma_start3A_555 = arith.constant 0 : i32
    %dma_start3A_556 = arith.constant 0 : i32
    %dma_start3A_557 = tpu.memref_slice %arg4[%dma_start3A_553, %dma_start3A_555, %dma_start3A_556] : memref<7x16x1024xf32, #tpu.memory_space<vmem>> -> memref<1x16x1024xf32, #tpu.memory_space<vmem>>
    %dma_start3A_558 = tpu.memref_squeeze %dma_start3A_557 : memref<1x16x1024xf32, #tpu.memory_space<vmem>> -> memref<16x1024xf32, #tpu.memory_space<vmem>>
    %dma_start3A_559 = arith.constant 0 : i32
    %dma_start3A_560 = tpu.memref_slice %arg2[%add3A_552, %dma_start3A_559] : memref<8192x1024xf32, #tpu.memory_space<hbm>> -> memref<16x1024xf32, #tpu.memory_space<hbm>>
    %dma_start3A_561 = tpu.memref_slice %arg5[%dma_start3A_554] : memref<7x!tpu.dma_semaphore, #tpu.memory_space<semaphore_mem>> -> memref<1x!tpu.dma_semaphore, #tpu.memory_space<semaphore_mem>>
    %dma_start3A_562 = tpu.memref_squeeze %dma_start3A_561 : memref<1x!tpu.dma_semaphore, #tpu.memory_space<semaphore_mem>> -> memref<!tpu.dma_semaphore, #tpu.memory_space<semaphore_mem>>
    %dma_start3A_563 = arith.constant 0 : i32
    %dma_start3A_564 = arith.constant 0 : i32
    %dma_start3A_565 = tpu.memref_slice %arg4[%dma_start3A_553, %dma_start3A_563, %dma_start3A_564] : memref<7x16x1024xf32, #tpu.memory_space<vmem>> -> memref<1x16x1024xf32, #tpu.memory_space<vmem>>
    %dma_start3A_566 = tpu.memref_squeeze %dma_start3A_565 : memref<1x16x1024xf32, #tpu.memory_space<vmem>> -> memref<16x1024xf32, #tpu.memory_space<vmem>>
    %dma_start3A_567 = arith.constant 0 : i32
    %dma_start3A_568 = tpu.memref_slice %arg2[%add3A_552, %dma_start3A_567] : memref<8192x1024xf32, #tpu.memory_space<hbm>> -> memref<16x1024xf32, #tpu.memory_space<hbm>>
    tpu.enqueue_dma source(%dma_start3A_568 : memref<16x1024xf32, #tpu.memory_space<hbm>>) target(%dma_start3A_566 : memref<16x1024xf32, #tpu.memory_space<vmem>>) target_semaphore(%dma_start3A_562 : memref<!tpu.dma_semaphore, #tpu.memory_space<semaphore_mem>>)
    %dma_wait3A_569 = arith.constant 0 : i32
    %dma_wait3A_570 = arith.constant 0 : i32
    %dma_wait3A_571 = arith.constant 0 : i32
    %dma_wait3A_572 = arith.constant 0 : i32
    %dma_wait3A_573 = tpu.memref_slice %arg4[%dma_wait3A_569, %dma_wait3A_571, %dma_wait3A_572] : memref<7x16x1024xf32, #tpu.memory_space<vmem>> -> memref<1x16x1024xf32, #tpu.memory_space<vmem>>
    %dma_wait3A_574 = tpu.memref_squeeze %dma_wait3A_573 : memref<1x16x1024xf32, #tpu.memory_space<vmem>> -> memref<16x1024xf32, #tpu.memory_space<vmem>>
    %dma_wait3A_575 = arith.constant 0 : i32
    %dma_wait3A_576 = tpu.memref_slice %arg2[%add3A_212, %dma_wait3A_575] : memref<8192x1024xf32, #tpu.memory_space<hbm>> -> memref<16x1024xf32, #tpu.memory_space<hbm>>
    %dma_wait3A_577 = tpu.memref_slice %arg5[%dma_wait3A_570] : memref<7x!tpu.dma_semaphore, #tpu.memory_space<semaphore_mem>> -> memref<1x!tpu.dma_semaphore, #tpu.memory_space<semaphore_mem>>
    %dma_wait3A_578 = tpu.memref_squeeze %dma_wait3A_577 : memref<1x!tpu.dma_semaphore, #tpu.memory_space<semaphore_mem>> -> memref<!tpu.dma_semaphore, #tpu.memory_space<semaphore_mem>>
    %dma_wait3A_579 = arith.constant 0 : i32
    %dma_wait3A_580 = arith.constant 0 : i32
    %dma_wait3A_581 = tpu.memref_slice %arg4[%dma_wait3A_569, %dma_wait3A_579, %dma_wait3A_580] : memref<7x16x1024xf32, #tpu.memory_space<vmem>> -> memref<1x16x1024xf32, #tpu.memory_space<vmem>>
    %dma_wait3A_582 = tpu.memref_squeeze %dma_wait3A_581 : memref<1x16x1024xf32, #tpu.memory_space<vmem>> -> memref<16x1024xf32, #tpu.memory_space<vmem>>
    %dma_wait3A_583 = arith.constant 0 : i32
    %dma_wait3A_584 = tpu.memref_slice %arg2[%add3A_212, %dma_wait3A_583] : memref<8192x1024xf32, #tpu.memory_space<hbm>> -> memref<16x1024xf32, #tpu.memory_space<hbm>>
    tpu.wait_dma2 semaphore(%dma_wait3A_578 : memref<!tpu.dma_semaphore, #tpu.memory_space<semaphore_mem>>) src(%dma_wait3A_584 : memref<16x1024xf32, #tpu.memory_space<hbm>>) dst(%dma_wait3A_582 : memref<16x1024xf32, #tpu.memory_space<vmem>>)
    %add3A_585 = arith.constant 112 : i32
    %add3A_586 = arith.addi %mul3A_2, %add3A_585 : i32
    %dma_start3A_587 = arith.constant 0 : i32
    %dma_start3A_588 = arith.constant 0 : i32
    %dma_start3A_589 = arith.constant 0 : i32
    %dma_start3A_590 = arith.constant 0 : i32
    %dma_start3A_591 = tpu.memref_slice %arg4[%dma_start3A_587, %dma_start3A_589, %dma_start3A_590] : memref<7x16x1024xf32, #tpu.memory_space<vmem>> -> memref<1x16x1024xf32, #tpu.memory_space<vmem>>
    %dma_start3A_592 = tpu.memref_squeeze %dma_start3A_591 : memref<1x16x1024xf32, #tpu.memory_space<vmem>> -> memref<16x1024xf32, #tpu.memory_space<vmem>>
    %dma_start3A_593 = arith.constant 0 : i32
    %dma_start3A_594 = tpu.memref_slice %arg3[%add3A_586, %dma_start3A_593] : memref<8192x1024xf32, #tpu.memory_space<hbm>> -> memref<16x1024xf32, #tpu.memory_space<hbm>>
    %dma_start3A_595 = tpu.memref_slice %arg6[%dma_start3A_588] : memref<7x!tpu.dma_semaphore, #tpu.memory_space<semaphore_mem>> -> memref<1x!tpu.dma_semaphore, #tpu.memory_space<semaphore_mem>>
    %dma_start3A_596 = tpu.memref_squeeze %dma_start3A_595 : memref<1x!tpu.dma_semaphore, #tpu.memory_space<semaphore_mem>> -> memref<!tpu.dma_semaphore, #tpu.memory_space<semaphore_mem>>
    %dma_start3A_597 = arith.constant 0 : i32
    %dma_start3A_598 = tpu.memref_slice %arg3[%add3A_586, %dma_start3A_597] : memref<8192x1024xf32, #tpu.memory_space<hbm>> -> memref<16x1024xf32, #tpu.memory_space<hbm>>
    %dma_start3A_599 = arith.constant 0 : i32
    %dma_start3A_600 = arith.constant 0 : i32
    %dma_start3A_601 = tpu.memref_slice %arg4[%dma_start3A_587, %dma_start3A_599, %dma_start3A_600] : memref<7x16x1024xf32, #tpu.memory_space<vmem>> -> memref<1x16x1024xf32, #tpu.memory_space<vmem>>
    %dma_start3A_602 = tpu.memref_squeeze %dma_start3A_601 : memref<1x16x1024xf32, #tpu.memory_space<vmem>> -> memref<16x1024xf32, #tpu.memory_space<vmem>>
    tpu.enqueue_dma source(%dma_start3A_602 : memref<16x1024xf32, #tpu.memory_space<vmem>>) target(%dma_start3A_598 : memref<16x1024xf32, #tpu.memory_space<hbm>>) target_semaphore(%dma_start3A_596 : memref<!tpu.dma_semaphore, #tpu.memory_space<semaphore_mem>>)
    %dma_wait3A_603 = arith.constant 6 : i32
    %dma_wait3A_604 = arith.constant 6 : i32
    %dma_wait3A_605 = arith.constant 0 : i32
    %dma_wait3A_606 = arith.constant 0 : i32
    %dma_wait3A_607 = tpu.memref_slice %arg4[%dma_wait3A_603, %dma_wait3A_605, %dma_wait3A_606] : memref<7x16x1024xf32, #tpu.memory_space<vmem>> -> memref<1x16x1024xf32, #tpu.memory_space<vmem>>
    %dma_wait3A_608 = tpu.memref_squeeze %dma_wait3A_607 : memref<1x16x1024xf32, #tpu.memory_space<vmem>> -> memref<16x1024xf32, #tpu.memory_space<vmem>>
    %dma_wait3A_609 = arith.constant 0 : i32
    %dma_wait3A_610 = tpu.memref_slice %arg3[%add3A_518, %dma_wait3A_609] : memref<8192x1024xf32, #tpu.memory_space<hbm>> -> memref<16x1024xf32, #tpu.memory_space<hbm>>
    %dma_wait3A_611 = tpu.memref_slice %arg6[%dma_wait3A_604] : memref<7x!tpu.dma_semaphore, #tpu.memory_space<semaphore_mem>> -> memref<1x!tpu.dma_semaphore, #tpu.memory_space<semaphore_mem>>
    %dma_wait3A_612 = tpu.memref_squeeze %dma_wait3A_611 : memref<1x!tpu.dma_semaphore, #tpu.memory_space<semaphore_mem>> -> memref<!tpu.dma_semaphore, #tpu.memory_space<semaphore_mem>>
    %dma_wait3A_613 = arith.constant 0 : i32
    %dma_wait3A_614 = tpu.memref_slice %arg3[%add3A_518, %dma_wait3A_613] : memref<8192x1024xf32, #tpu.memory_space<hbm>> -> memref<16x1024xf32, #tpu.memory_space<hbm>>
    %dma_wait3A_615 = arith.constant 0 : i32
    %dma_wait3A_616 = arith.constant 0 : i32
    %dma_wait3A_617 = tpu.memref_slice %arg4[%dma_wait3A_603, %dma_wait3A_615, %dma_wait3A_616] : memref<7x16x1024xf32, #tpu.memory_space<vmem>> -> memref<1x16x1024xf32, #tpu.memory_space<vmem>>
    %dma_wait3A_618 = tpu.memref_squeeze %dma_wait3A_617 : memref<1x16x1024xf32, #tpu.memory_space<vmem>> -> memref<16x1024xf32, #tpu.memory_space<vmem>>
    tpu.wait_dma2 semaphore(%dma_wait3A_612 : memref<!tpu.dma_semaphore, #tpu.memory_space<semaphore_mem>>) src(%dma_wait3A_618 : memref<16x1024xf32, #tpu.memory_space<vmem>>) dst(%dma_wait3A_614 : memref<16x1024xf32, #tpu.memory_space<hbm>>)
    %add3A_619 = arith.constant 208 : i32
    %add3A_620 = arith.addi %mul3A_2, %add3A_619 : i32
    %dma_start3A_621 = arith.constant 6 : i32
    %dma_start3A_622 = arith.constant 6 : i32
    %dma_start3A_623 = arith.constant 0 : i32
    %dma_start3A_624 = arith.constant 0 : i32
    %dma_start3A_625 = tpu.memref_slice %arg4[%dma_start3A_621, %dma_start3A_623, %dma_start3A_624] : memref<7x16x1024xf32, #tpu.memory_space<vmem>> -> memref<1x16x1024xf32, #tpu.memory_space<vmem>>
    %dma_start3A_626 = tpu.memref_squeeze %dma_start3A_625 : memref<1x16x1024xf32, #tpu.memory_space<vmem>> -> memref<16x1024xf32, #tpu.memory_space<vmem>>
    %dma_start3A_627 = arith.constant 0 : i32
    %dma_start3A_628 = tpu.memref_slice %arg2[%add3A_620, %dma_start3A_627] : memref<8192x1024xf32, #tpu.memory_space<hbm>> -> memref<16x1024xf32, #tpu.memory_space<hbm>>
    %dma_start3A_629 = tpu.memref_slice %arg5[%dma_start3A_622] : memref<7x!tpu.dma_semaphore, #tpu.memory_space<semaphore_mem>> -> memref<1x!tpu.dma_semaphore, #tpu.memory_space<semaphore_mem>>
    %dma_start3A_630 = tpu.memref_squeeze %dma_start3A_629 : memref<1x!tpu.dma_semaphore, #tpu.memory_space<semaphore_mem>> -> memref<!tpu.dma_semaphore, #tpu.memory_space<semaphore_mem>>
    %dma_start3A_631 = arith.constant 0 : i32
    %dma_start3A_632 = arith.constant 0 : i32
    %dma_start3A_633 = tpu.memref_slice %arg4[%dma_start3A_621, %dma_start3A_631, %dma_start3A_632] : memref<7x16x1024xf32, #tpu.memory_space<vmem>> -> memref<1x16x1024xf32, #tpu.memory_space<vmem>>
    %dma_start3A_634 = tpu.memref_squeeze %dma_start3A_633 : memref<1x16x1024xf32, #tpu.memory_space<vmem>> -> memref<16x1024xf32, #tpu.memory_space<vmem>>
    %dma_start3A_635 = arith.constant 0 : i32
    %dma_start3A_636 = tpu.memref_slice %arg2[%add3A_620, %dma_start3A_635] : memref<8192x1024xf32, #tpu.memory_space<hbm>> -> memref<16x1024xf32, #tpu.memory_space<hbm>>
    tpu.enqueue_dma source(%dma_start3A_636 : memref<16x1024xf32, #tpu.memory_space<hbm>>) target(%dma_start3A_634 : memref<16x1024xf32, #tpu.memory_space<vmem>>) target_semaphore(%dma_start3A_630 : memref<!tpu.dma_semaphore, #tpu.memory_space<semaphore_mem>>)
    %dma_wait3A_637 = arith.constant 1 : i32
    %dma_wait3A_638 = arith.constant 1 : i32
    %dma_wait3A_639 = arith.constant 0 : i32
    %dma_wait3A_640 = arith.constant 0 : i32
    %dma_wait3A_641 = tpu.memref_slice %arg4[%dma_wait3A_637, %dma_wait3A_639, %dma_wait3A_640] : memref<7x16x1024xf32, #tpu.memory_space<vmem>> -> memref<1x16x1024xf32, #tpu.memory_space<vmem>>
    %dma_wait3A_642 = tpu.memref_squeeze %dma_wait3A_641 : memref<1x16x1024xf32, #tpu.memory_space<vmem>> -> memref<16x1024xf32, #tpu.memory_space<vmem>>
    %dma_wait3A_643 = arith.constant 0 : i32
    %dma_wait3A_644 = tpu.memref_slice %arg2[%add3A_280, %dma_wait3A_643] : memref<8192x1024xf32, #tpu.memory_space<hbm>> -> memref<16x1024xf32, #tpu.memory_space<hbm>>
    %dma_wait3A_645 = tpu.memref_slice %arg5[%dma_wait3A_638] : memref<7x!tpu.dma_semaphore, #tpu.memory_space<semaphore_mem>> -> memref<1x!tpu.dma_semaphore, #tpu.memory_space<semaphore_mem>>
    %dma_wait3A_646 = tpu.memref_squeeze %dma_wait3A_645 : memref<1x!tpu.dma_semaphore, #tpu.memory_space<semaphore_mem>> -> memref<!tpu.dma_semaphore, #tpu.memory_space<semaphore_mem>>
    %dma_wait3A_647 = arith.constant 0 : i32
    %dma_wait3A_648 = arith.constant 0 : i32
    %dma_wait3A_649 = tpu.memref_slice %arg4[%dma_wait3A_637, %dma_wait3A_647, %dma_wait3A_648] : memref<7x16x1024xf32, #tpu.memory_space<vmem>> -> memref<1x16x1024xf32, #tpu.memory_space<vmem>>
    %dma_wait3A_650 = tpu.memref_squeeze %dma_wait3A_649 : memref<1x16x1024xf32, #tpu.memory_space<vmem>> -> memref<16x1024xf32, #tpu.memory_space<vmem>>
    %dma_wait3A_651 = arith.constant 0 : i32
    %dma_wait3A_652 = tpu.memref_slice %arg2[%add3A_280, %dma_wait3A_651] : memref<8192x1024xf32, #tpu.memory_space<hbm>> -> memref<16x1024xf32, #tpu.memory_space<hbm>>
    tpu.wait_dma2 semaphore(%dma_wait3A_646 : memref<!tpu.dma_semaphore, #tpu.memory_space<semaphore_mem>>) src(%dma_wait3A_652 : memref<16x1024xf32, #tpu.memory_space<hbm>>) dst(%dma_wait3A_650 : memref<16x1024xf32, #tpu.memory_space<vmem>>)
    %add3A_653 = arith.constant 128 : i32
    %add3A_654 = arith.addi %mul3A_2, %add3A_653 : i32
    %dma_start3A_655 = arith.constant 1 : i32
    %dma_start3A_656 = arith.constant 1 : i32
    %dma_start3A_657 = arith.constant 0 : i32
    %dma_start3A_658 = arith.constant 0 : i32
    %dma_start3A_659 = tpu.memref_slice %arg4[%dma_start3A_655, %dma_start3A_657, %dma_start3A_658] : memref<7x16x1024xf32, #tpu.memory_space<vmem>> -> memref<1x16x1024xf32, #tpu.memory_space<vmem>>
    %dma_start3A_660 = tpu.memref_squeeze %dma_start3A_659 : memref<1x16x1024xf32, #tpu.memory_space<vmem>> -> memref<16x1024xf32, #tpu.memory_space<vmem>>
    %dma_start3A_661 = arith.constant 0 : i32
    %dma_start3A_662 = tpu.memref_slice %arg3[%add3A_654, %dma_start3A_661] : memref<8192x1024xf32, #tpu.memory_space<hbm>> -> memref<16x1024xf32, #tpu.memory_space<hbm>>
    %dma_start3A_663 = tpu.memref_slice %arg6[%dma_start3A_656] : memref<7x!tpu.dma_semaphore, #tpu.memory_space<semaphore_mem>> -> memref<1x!tpu.dma_semaphore, #tpu.memory_space<semaphore_mem>>
    %dma_start3A_664 = tpu.memref_squeeze %dma_start3A_663 : memref<1x!tpu.dma_semaphore, #tpu.memory_space<semaphore_mem>> -> memref<!tpu.dma_semaphore, #tpu.memory_space<semaphore_mem>>
    %dma_start3A_665 = arith.constant 0 : i32
    %dma_start3A_666 = tpu.memref_slice %arg3[%add3A_654, %dma_start3A_665] : memref<8192x1024xf32, #tpu.memory_space<hbm>> -> memref<16x1024xf32, #tpu.memory_space<hbm>>
    %dma_start3A_667 = arith.constant 0 : i32
    %dma_start3A_668 = arith.constant 0 : i32
    %dma_start3A_669 = tpu.memref_slice %arg4[%dma_start3A_655, %dma_start3A_667, %dma_start3A_668] : memref<7x16x1024xf32, #tpu.memory_space<vmem>> -> memref<1x16x1024xf32, #tpu.memory_space<vmem>>
    %dma_start3A_670 = tpu.memref_squeeze %dma_start3A_669 : memref<1x16x1024xf32, #tpu.memory_space<vmem>> -> memref<16x1024xf32, #tpu.memory_space<vmem>>
    tpu.enqueue_dma source(%dma_start3A_670 : memref<16x1024xf32, #tpu.memory_space<vmem>>) target(%dma_start3A_666 : memref<16x1024xf32, #tpu.memory_space<hbm>>) target_semaphore(%dma_start3A_664 : memref<!tpu.dma_semaphore, #tpu.memory_space<semaphore_mem>>)
    %dma_wait3A_671 = arith.constant 0 : i32
    %dma_wait3A_672 = arith.constant 0 : i32
    %dma_wait3A_673 = arith.constant 0 : i32
    %dma_wait3A_674 = arith.constant 0 : i32
    %dma_wait3A_675 = tpu.memref_slice %arg4[%dma_wait3A_671, %dma_wait3A_673, %dma_wait3A_674] : memref<7x16x1024xf32, #tpu.memory_space<vmem>> -> memref<1x16x1024xf32, #tpu.memory_space<vmem>>
    %dma_wait3A_676 = tpu.memref_squeeze %dma_wait3A_675 : memref<1x16x1024xf32, #tpu.memory_space<vmem>> -> memref<16x1024xf32, #tpu.memory_space<vmem>>
    %dma_wait3A_677 = arith.constant 0 : i32
    %dma_wait3A_678 = tpu.memref_slice %arg3[%add3A_586, %dma_wait3A_677] : memref<8192x1024xf32, #tpu.memory_space<hbm>> -> memref<16x1024xf32, #tpu.memory_space<hbm>>
    %dma_wait3A_679 = tpu.memref_slice %arg6[%dma_wait3A_672] : memref<7x!tpu.dma_semaphore, #tpu.memory_space<semaphore_mem>> -> memref<1x!tpu.dma_semaphore, #tpu.memory_space<semaphore_mem>>
    %dma_wait3A_680 = tpu.memref_squeeze %dma_wait3A_679 : memref<1x!tpu.dma_semaphore, #tpu.memory_space<semaphore_mem>> -> memref<!tpu.dma_semaphore, #tpu.memory_space<semaphore_mem>>
    %dma_wait3A_681 = arith.constant 0 : i32
    %dma_wait3A_682 = tpu.memref_slice %arg3[%add3A_586, %dma_wait3A_681] : memref<8192x1024xf32, #tpu.memory_space<hbm>> -> memref<16x1024xf32, #tpu.memory_space<hbm>>
    %dma_wait3A_683 = arith.constant 0 : i32
    %dma_wait3A_684 = arith.constant 0 : i32
    %dma_wait3A_685 = tpu.memref_slice %arg4[%dma_wait3A_671, %dma_wait3A_683, %dma_wait3A_684] : memref<7x16x1024xf32, #tpu.memory_space<vmem>> -> memref<1x16x1024xf32, #tpu.memory_space<vmem>>
    %dma_wait3A_686 = tpu.memref_squeeze %dma_wait3A_685 : memref<1x16x1024xf32, #tpu.memory_space<vmem>> -> memref<16x1024xf32, #tpu.memory_space<vmem>>
    tpu.wait_dma2 semaphore(%dma_wait3A_680 : memref<!tpu.dma_semaphore, #tpu.memory_space<semaphore_mem>>) src(%dma_wait3A_686 : memref<16x1024xf32, #tpu.memory_space<vmem>>) dst(%dma_wait3A_682 : memref<16x1024xf32, #tpu.memory_space<hbm>>)
    %add3A_687 = arith.constant 224 : i32
    %add3A_688 = arith.addi %mul3A_2, %add3A_687 : i32
    %dma_start3A_689 = arith.constant 0 : i32
    %dma_start3A_690 = arith.constant 0 : i32
    %dma_start3A_691 = arith.constant 0 : i32
    %dma_start3A_692 = arith.constant 0 : i32
    %dma_start3A_693 = tpu.memref_slice %arg4[%dma_start3A_689, %dma_start3A_691, %dma_start3A_692] : memref<7x16x1024xf32, #tpu.memory_space<vmem>> -> memref<1x16x1024xf32, #tpu.memory_space<vmem>>
    %dma_start3A_694 = tpu.memref_squeeze %dma_start3A_693 : memref<1x16x1024xf32, #tpu.memory_space<vmem>> -> memref<16x1024xf32, #tpu.memory_space<vmem>>
    %dma_start3A_695 = arith.constant 0 : i32
    %dma_start3A_696 = tpu.memref_slice %arg2[%add3A_688, %dma_start3A_695] : memref<8192x1024xf32, #tpu.memory_space<hbm>> -> memref<16x1024xf32, #tpu.memory_space<hbm>>
    %dma_start3A_697 = tpu.memref_slice %arg5[%dma_start3A_690] : memref<7x!tpu.dma_semaphore, #tpu.memory_space<semaphore_mem>> -> memref<1x!tpu.dma_semaphore, #tpu.memory_space<semaphore_mem>>
    %dma_start3A_698 = tpu.memref_squeeze %dma_start3A_697 : memref<1x!tpu.dma_semaphore, #tpu.memory_space<semaphore_mem>> -> memref<!tpu.dma_semaphore, #tpu.memory_space<semaphore_mem>>
    %dma_start3A_699 = arith.constant 0 : i32
    %dma_start3A_700 = arith.constant 0 : i32
    %dma_start3A_701 = tpu.memref_slice %arg4[%dma_start3A_689, %dma_start3A_699, %dma_start3A_700] : memref<7x16x1024xf32, #tpu.memory_space<vmem>> -> memref<1x16x1024xf32, #tpu.memory_space<vmem>>
    %dma_start3A_702 = tpu.memref_squeeze %dma_start3A_701 : memref<1x16x1024xf32, #tpu.memory_space<vmem>> -> memref<16x1024xf32, #tpu.memory_space<vmem>>
    %dma_start3A_703 = arith.constant 0 : i32
    %dma_start3A_704 = tpu.memref_slice %arg2[%add3A_688, %dma_start3A_703] : memref<8192x1024xf32, #tpu.memory_space<hbm>> -> memref<16x1024xf32, #tpu.memory_space<hbm>>
    tpu.enqueue_dma source(%dma_start3A_704 : memref<16x1024xf32, #tpu.memory_space<hbm>>) target(%dma_start3A_702 : memref<16x1024xf32, #tpu.memory_space<vmem>>) target_semaphore(%dma_start3A_698 : memref<!tpu.dma_semaphore, #tpu.memory_space<semaphore_mem>>)
    %dma_wait3A_705 = arith.constant 2 : i32
    %dma_wait3A_706 = arith.constant 2 : i32
    %dma_wait3A_707 = arith.constant 0 : i32
    %dma_wait3A_708 = arith.constant 0 : i32
    %dma_wait3A_709 = tpu.memref_slice %arg4[%dma_wait3A_705, %dma_wait3A_707, %dma_wait3A_708] : memref<7x16x1024xf32, #tpu.memory_space<vmem>> -> memref<1x16x1024xf32, #tpu.memory_space<vmem>>
    %dma_wait3A_710 = tpu.memref_squeeze %dma_wait3A_709 : memref<1x16x1024xf32, #tpu.memory_space<vmem>> -> memref<16x1024xf32, #tpu.memory_space<vmem>>
    %dma_wait3A_711 = arith.constant 0 : i32
    %dma_wait3A_712 = tpu.memref_slice %arg2[%add3A_348, %dma_wait3A_711] : memref<8192x1024xf32, #tpu.memory_space<hbm>> -> memref<16x1024xf32, #tpu.memory_space<hbm>>
    %dma_wait3A_713 = tpu.memref_slice %arg5[%dma_wait3A_706] : memref<7x!tpu.dma_semaphore, #tpu.memory_space<semaphore_mem>> -> memref<1x!tpu.dma_semaphore, #tpu.memory_space<semaphore_mem>>
    %dma_wait3A_714 = tpu.memref_squeeze %dma_wait3A_713 : memref<1x!tpu.dma_semaphore, #tpu.memory_space<semaphore_mem>> -> memref<!tpu.dma_semaphore, #tpu.memory_space<semaphore_mem>>
    %dma_wait3A_715 = arith.constant 0 : i32
    %dma_wait3A_716 = arith.constant 0 : i32
    %dma_wait3A_717 = tpu.memref_slice %arg4[%dma_wait3A_705, %dma_wait3A_715, %dma_wait3A_716] : memref<7x16x1024xf32, #tpu.memory_space<vmem>> -> memref<1x16x1024xf32, #tpu.memory_space<vmem>>
    %dma_wait3A_718 = tpu.memref_squeeze %dma_wait3A_717 : memref<1x16x1024xf32, #tpu.memory_space<vmem>> -> memref<16x1024xf32, #tpu.memory_space<vmem>>
    %dma_wait3A_719 = arith.constant 0 : i32
    %dma_wait3A_720 = tpu.memref_slice %arg2[%add3A_348, %dma_wait3A_719] : memref<8192x1024xf32, #tpu.memory_space<hbm>> -> memref<16x1024xf32, #tpu.memory_space<hbm>>
    tpu.wait_dma2 semaphore(%dma_wait3A_714 : memref<!tpu.dma_semaphore, #tpu.memory_space<semaphore_mem>>) src(%dma_wait3A_720 : memref<16x1024xf32, #tpu.memory_space<hbm>>) dst(%dma_wait3A_718 : memref<16x1024xf32, #tpu.memory_space<vmem>>)
    %add3A_721 = arith.constant 144 : i32
    %add3A_722 = arith.addi %mul3A_2, %add3A_721 : i32
    %dma_start3A_723 = arith.constant 2 : i32
    %dma_start3A_724 = arith.constant 2 : i32
    %dma_start3A_725 = arith.constant 0 : i32
    %dma_start3A_726 = arith.constant 0 : i32
    %dma_start3A_727 = tpu.memref_slice %arg4[%dma_start3A_723, %dma_start3A_725, %dma_start3A_726] : memref<7x16x1024xf32, #tpu.memory_space<vmem>> -> memref<1x16x1024xf32, #tpu.memory_space<vmem>>
    %dma_start3A_728 = tpu.memref_squeeze %dma_start3A_727 : memref<1x16x1024xf32, #tpu.memory_space<vmem>> -> memref<16x1024xf32, #tpu.memory_space<vmem>>
    %dma_start3A_729 = arith.constant 0 : i32
    %dma_start3A_730 = tpu.memref_slice %arg3[%add3A_722, %dma_start3A_729] : memref<8192x1024xf32, #tpu.memory_space<hbm>> -> memref<16x1024xf32, #tpu.memory_space<hbm>>
    %dma_start3A_731 = tpu.memref_slice %arg6[%dma_start3A_724] : memref<7x!tpu.dma_semaphore, #tpu.memory_space<semaphore_mem>> -> memref<1x!tpu.dma_semaphore, #tpu.memory_space<semaphore_mem>>
    %dma_start3A_732 = tpu.memref_squeeze %dma_start3A_731 : memref<1x!tpu.dma_semaphore, #tpu.memory_space<semaphore_mem>> -> memref<!tpu.dma_semaphore, #tpu.memory_space<semaphore_mem>>
    %dma_start3A_733 = arith.constant 0 : i32
    %dma_start3A_734 = tpu.memref_slice %arg3[%add3A_722, %dma_start3A_733] : memref<8192x1024xf32, #tpu.memory_space<hbm>> -> memref<16x1024xf32, #tpu.memory_space<hbm>>
    %dma_start3A_735 = arith.constant 0 : i32
    %dma_start3A_736 = arith.constant 0 : i32
    %dma_start3A_737 = tpu.memref_slice %arg4[%dma_start3A_723, %dma_start3A_735, %dma_start3A_736] : memref<7x16x1024xf32, #tpu.memory_space<vmem>> -> memref<1x16x1024xf32, #tpu.memory_space<vmem>>
    %dma_start3A_738 = tpu.memref_squeeze %dma_start3A_737 : memref<1x16x1024xf32, #tpu.memory_space<vmem>> -> memref<16x1024xf32, #tpu.memory_space<vmem>>
    tpu.enqueue_dma source(%dma_start3A_738 : memref<16x1024xf32, #tpu.memory_space<vmem>>) target(%dma_start3A_734 : memref<16x1024xf32, #tpu.memory_space<hbm>>) target_semaphore(%dma_start3A_732 : memref<!tpu.dma_semaphore, #tpu.memory_space<semaphore_mem>>)
    %dma_wait3A_739 = arith.constant 1 : i32
    %dma_wait3A_740 = arith.constant 1 : i32
    %dma_wait3A_741 = arith.constant 0 : i32
    %dma_wait3A_742 = arith.constant 0 : i32
    %dma_wait3A_743 = tpu.memref_slice %arg4[%dma_wait3A_739, %dma_wait3A_741, %dma_wait3A_742] : memref<7x16x1024xf32, #tpu.memory_space<vmem>> -> memref<1x16x1024xf32, #tpu.memory_space<vmem>>
    %dma_wait3A_744 = tpu.memref_squeeze %dma_wait3A_743 : memref<1x16x1024xf32, #tpu.memory_space<vmem>> -> memref<16x1024xf32, #tpu.memory_space<vmem>>
    %dma_wait3A_745 = arith.constant 0 : i32
    %dma_wait3A_746 = tpu.memref_slice %arg3[%add3A_654, %dma_wait3A_745] : memref<8192x1024xf32, #tpu.memory_space<hbm>> -> memref<16x1024xf32, #tpu.memory_space<hbm>>
    %dma_wait3A_747 = tpu.memref_slice %arg6[%dma_wait3A_740] : memref<7x!tpu.dma_semaphore, #tpu.memory_space<semaphore_mem>> -> memref<1x!tpu.dma_semaphore, #tpu.memory_space<semaphore_mem>>
    %dma_wait3A_748 = tpu.memref_squeeze %dma_wait3A_747 : memref<1x!tpu.dma_semaphore, #tpu.memory_space<semaphore_mem>> -> memref<!tpu.dma_semaphore, #tpu.memory_space<semaphore_mem>>
    %dma_wait3A_749 = arith.constant 0 : i32
    %dma_wait3A_750 = tpu.memref_slice %arg3[%add3A_654, %dma_wait3A_749] : memref<8192x1024xf32, #tpu.memory_space<hbm>> -> memref<16x1024xf32, #tpu.memory_space<hbm>>
    %dma_wait3A_751 = arith.constant 0 : i32
    %dma_wait3A_752 = arith.constant 0 : i32
    %dma_wait3A_753 = tpu.memref_slice %arg4[%dma_wait3A_739, %dma_wait3A_751, %dma_wait3A_752] : memref<7x16x1024xf32, #tpu.memory_space<vmem>> -> memref<1x16x1024xf32, #tpu.memory_space<vmem>>
    %dma_wait3A_754 = tpu.memref_squeeze %dma_wait3A_753 : memref<1x16x1024xf32, #tpu.memory_space<vmem>> -> memref<16x1024xf32, #tpu.memory_space<vmem>>
    tpu.wait_dma2 semaphore(%dma_wait3A_748 : memref<!tpu.dma_semaphore, #tpu.memory_space<semaphore_mem>>) src(%dma_wait3A_754 : memref<16x1024xf32, #tpu.memory_space<vmem>>) dst(%dma_wait3A_750 : memref<16x1024xf32, #tpu.memory_space<hbm>>)
    %add3A_755 = arith.constant 240 : i32
    %add3A_756 = arith.addi %mul3A_2, %add3A_755 : i32
    %dma_start3A_757 = arith.constant 1 : i32
    %dma_start3A_758 = arith.constant 1 : i32
    %dma_start3A_759 = arith.constant 0 : i32
    %dma_start3A_760 = arith.constant 0 : i32
    %dma_start3A_761 = tpu.memref_slice %arg4[%dma_start3A_757, %dma_start3A_759, %dma_start3A_760] : memref<7x16x1024xf32, #tpu.memory_space<vmem>> -> memref<1x16x1024xf32, #tpu.memory_space<vmem>>
    %dma_start3A_762 = tpu.memref_squeeze %dma_start3A_761 : memref<1x16x1024xf32, #tpu.memory_space<vmem>> -> memref<16x1024xf32, #tpu.memory_space<vmem>>
    %dma_start3A_763 = arith.constant 0 : i32
    %dma_start3A_764 = tpu.memref_slice %arg2[%add3A_756, %dma_start3A_763] : memref<8192x1024xf32, #tpu.memory_space<hbm>> -> memref<16x1024xf32, #tpu.memory_space<hbm>>
    %dma_start3A_765 = tpu.memref_slice %arg5[%dma_start3A_758] : memref<7x!tpu.dma_semaphore, #tpu.memory_space<semaphore_mem>> -> memref<1x!tpu.dma_semaphore, #tpu.memory_space<semaphore_mem>>
    %dma_start3A_766 = tpu.memref_squeeze %dma_start3A_765 : memref<1x!tpu.dma_semaphore, #tpu.memory_space<semaphore_mem>> -> memref<!tpu.dma_semaphore, #tpu.memory_space<semaphore_mem>>
    %dma_start3A_767 = arith.constant 0 : i32
    %dma_start3A_768 = arith.constant 0 : i32
    %dma_start3A_769 = tpu.memref_slice %arg4[%dma_start3A_757, %dma_start3A_767, %dma_start3A_768] : memref<7x16x1024xf32, #tpu.memory_space<vmem>> -> memref<1x16x1024xf32, #tpu.memory_space<vmem>>
    %dma_start3A_770 = tpu.memref_squeeze %dma_start3A_769 : memref<1x16x1024xf32, #tpu.memory_space<vmem>> -> memref<16x1024xf32, #tpu.memory_space<vmem>>
    %dma_start3A_771 = arith.constant 0 : i32
    %dma_start3A_772 = tpu.memref_slice %arg2[%add3A_756, %dma_start3A_771] : memref<8192x1024xf32, #tpu.memory_space<hbm>> -> memref<16x1024xf32, #tpu.memory_space<hbm>>
    tpu.enqueue_dma source(%dma_start3A_772 : memref<16x1024xf32, #tpu.memory_space<hbm>>) target(%dma_start3A_770 : memref<16x1024xf32, #tpu.memory_space<vmem>>) target_semaphore(%dma_start3A_766 : memref<!tpu.dma_semaphore, #tpu.memory_space<semaphore_mem>>)
    %dma_wait3A_773 = arith.constant 3 : i32
    %dma_wait3A_774 = arith.constant 3 : i32
    %dma_wait3A_775 = arith.constant 0 : i32
    %dma_wait3A_776 = arith.constant 0 : i32
    %dma_wait3A_777 = tpu.memref_slice %arg4[%dma_wait3A_773, %dma_wait3A_775, %dma_wait3A_776] : memref<7x16x1024xf32, #tpu.memory_space<vmem>> -> memref<1x16x1024xf32, #tpu.memory_space<vmem>>
    %dma_wait3A_778 = tpu.memref_squeeze %dma_wait3A_777 : memref<1x16x1024xf32, #tpu.memory_space<vmem>> -> memref<16x1024xf32, #tpu.memory_space<vmem>>
    %dma_wait3A_779 = arith.constant 0 : i32
    %dma_wait3A_780 = tpu.memref_slice %arg2[%add3A_416, %dma_wait3A_779] : memref<8192x1024xf32, #tpu.memory_space<hbm>> -> memref<16x1024xf32, #tpu.memory_space<hbm>>
    %dma_wait3A_781 = tpu.memref_slice %arg5[%dma_wait3A_774] : memref<7x!tpu.dma_semaphore, #tpu.memory_space<semaphore_mem>> -> memref<1x!tpu.dma_semaphore, #tpu.memory_space<semaphore_mem>>
    %dma_wait3A_782 = tpu.memref_squeeze %dma_wait3A_781 : memref<1x!tpu.dma_semaphore, #tpu.memory_space<semaphore_mem>> -> memref<!tpu.dma_semaphore, #tpu.memory_space<semaphore_mem>>
    %dma_wait3A_783 = arith.constant 0 : i32
    %dma_wait3A_784 = arith.constant 0 : i32
    %dma_wait3A_785 = tpu.memref_slice %arg4[%dma_wait3A_773, %dma_wait3A_783, %dma_wait3A_784] : memref<7x16x1024xf32, #tpu.memory_space<vmem>> -> memref<1x16x1024xf32, #tpu.memory_space<vmem>>
    %dma_wait3A_786 = tpu.memref_squeeze %dma_wait3A_785 : memref<1x16x1024xf32, #tpu.memory_space<vmem>> -> memref<16x1024xf32, #tpu.memory_space<vmem>>
    %dma_wait3A_787 = arith.constant 0 : i32
    %dma_wait3A_788 = tpu.memref_slice %arg2[%add3A_416, %dma_wait3A_787] : memref<8192x1024xf32, #tpu.memory_space<hbm>> -> memref<16x1024xf32, #tpu.memory_space<hbm>>
    tpu.wait_dma2 semaphore(%dma_wait3A_782 : memref<!tpu.dma_semaphore, #tpu.memory_space<semaphore_mem>>) src(%dma_wait3A_788 : memref<16x1024xf32, #tpu.memory_space<hbm>>) dst(%dma_wait3A_786 : memref<16x1024xf32, #tpu.memory_space<vmem>>)
    %add3A_789 = arith.constant 160 : i32
    %add3A_790 = arith.addi %mul3A_2, %add3A_789 : i32
    %dma_start3A_791 = arith.constant 3 : i32
    %dma_start3A_792 = arith.constant 3 : i32
    %dma_start3A_793 = arith.constant 0 : i32
    %dma_start3A_794 = arith.constant 0 : i32
    %dma_start3A_795 = tpu.memref_slice %arg4[%dma_start3A_791, %dma_start3A_793, %dma_start3A_794] : memref<7x16x1024xf32, #tpu.memory_space<vmem>> -> memref<1x16x1024xf32, #tpu.memory_space<vmem>>
    %dma_start3A_796 = tpu.memref_squeeze %dma_start3A_795 : memref<1x16x1024xf32, #tpu.memory_space<vmem>> -> memref<16x1024xf32, #tpu.memory_space<vmem>>
    %dma_start3A_797 = arith.constant 0 : i32
    %dma_start3A_798 = tpu.memref_slice %arg3[%add3A_790, %dma_start3A_797] : memref<8192x1024xf32, #tpu.memory_space<hbm>> -> memref<16x1024xf32, #tpu.memory_space<hbm>>
    %dma_start3A_799 = tpu.memref_slice %arg6[%dma_start3A_792] : memref<7x!tpu.dma_semaphore, #tpu.memory_space<semaphore_mem>> -> memref<1x!tpu.dma_semaphore, #tpu.memory_space<semaphore_mem>>
    %dma_start3A_800 = tpu.memref_squeeze %dma_start3A_799 : memref<1x!tpu.dma_semaphore, #tpu.memory_space<semaphore_mem>> -> memref<!tpu.dma_semaphore, #tpu.memory_space<semaphore_mem>>
    %dma_start3A_801 = arith.constant 0 : i32
    %dma_start3A_802 = tpu.memref_slice %arg3[%add3A_790, %dma_start3A_801] : memref<8192x1024xf32, #tpu.memory_space<hbm>> -> memref<16x1024xf32, #tpu.memory_space<hbm>>
    %dma_start3A_803 = arith.constant 0 : i32
    %dma_start3A_804 = arith.constant 0 : i32
    %dma_start3A_805 = tpu.memref_slice %arg4[%dma_start3A_791, %dma_start3A_803, %dma_start3A_804] : memref<7x16x1024xf32, #tpu.memory_space<vmem>> -> memref<1x16x1024xf32, #tpu.memory_space<vmem>>
    %dma_start3A_806 = tpu.memref_squeeze %dma_start3A_805 : memref<1x16x1024xf32, #tpu.memory_space<vmem>> -> memref<16x1024xf32, #tpu.memory_space<vmem>>
    tpu.enqueue_dma source(%dma_start3A_806 : memref<16x1024xf32, #tpu.memory_space<vmem>>) target(%dma_start3A_802 : memref<16x1024xf32, #tpu.memory_space<hbm>>) target_semaphore(%dma_start3A_800 : memref<!tpu.dma_semaphore, #tpu.memory_space<semaphore_mem>>)
    %dma_wait3A_807 = arith.constant 4 : i32
    %dma_wait3A_808 = arith.constant 4 : i32
    %dma_wait3A_809 = arith.constant 0 : i32
    %dma_wait3A_810 = arith.constant 0 : i32
    %dma_wait3A_811 = tpu.memref_slice %arg4[%dma_wait3A_807, %dma_wait3A_809, %dma_wait3A_810] : memref<7x16x1024xf32, #tpu.memory_space<vmem>> -> memref<1x16x1024xf32, #tpu.memory_space<vmem>>
    %dma_wait3A_812 = tpu.memref_squeeze %dma_wait3A_811 : memref<1x16x1024xf32, #tpu.memory_space<vmem>> -> memref<16x1024xf32, #tpu.memory_space<vmem>>
    %dma_wait3A_813 = arith.constant 0 : i32
    %dma_wait3A_814 = tpu.memref_slice %arg2[%add3A_484, %dma_wait3A_813] : memref<8192x1024xf32, #tpu.memory_space<hbm>> -> memref<16x1024xf32, #tpu.memory_space<hbm>>
    %dma_wait3A_815 = tpu.memref_slice %arg5[%dma_wait3A_808] : memref<7x!tpu.dma_semaphore, #tpu.memory_space<semaphore_mem>> -> memref<1x!tpu.dma_semaphore, #tpu.memory_space<semaphore_mem>>
    %dma_wait3A_816 = tpu.memref_squeeze %dma_wait3A_815 : memref<1x!tpu.dma_semaphore, #tpu.memory_space<semaphore_mem>> -> memref<!tpu.dma_semaphore, #tpu.memory_space<semaphore_mem>>
    %dma_wait3A_817 = arith.constant 0 : i32
    %dma_wait3A_818 = arith.constant 0 : i32
    %dma_wait3A_819 = tpu.memref_slice %arg4[%dma_wait3A_807, %dma_wait3A_817, %dma_wait3A_818] : memref<7x16x1024xf32, #tpu.memory_space<vmem>> -> memref<1x16x1024xf32, #tpu.memory_space<vmem>>
    %dma_wait3A_820 = tpu.memref_squeeze %dma_wait3A_819 : memref<1x16x1024xf32, #tpu.memory_space<vmem>> -> memref<16x1024xf32, #tpu.memory_space<vmem>>
    %dma_wait3A_821 = arith.constant 0 : i32
    %dma_wait3A_822 = tpu.memref_slice %arg2[%add3A_484, %dma_wait3A_821] : memref<8192x1024xf32, #tpu.memory_space<hbm>> -> memref<16x1024xf32, #tpu.memory_space<hbm>>
    tpu.wait_dma2 semaphore(%dma_wait3A_816 : memref<!tpu.dma_semaphore, #tpu.memory_space<semaphore_mem>>) src(%dma_wait3A_822 : memref<16x1024xf32, #tpu.memory_space<hbm>>) dst(%dma_wait3A_820 : memref<16x1024xf32, #tpu.memory_space<vmem>>)
    %add3A_823 = arith.constant 176 : i32
    %add3A_824 = arith.addi %mul3A_2, %add3A_823 : i32
    %dma_start3A_825 = arith.constant 4 : i32
    %dma_start3A_826 = arith.constant 4 : i32
    %dma_start3A_827 = arith.constant 0 : i32
    %dma_start3A_828 = arith.constant 0 : i32
    %dma_start3A_829 = tpu.memref_slice %arg4[%dma_start3A_825, %dma_start3A_827, %dma_start3A_828] : memref<7x16x1024xf32, #tpu.memory_space<vmem>> -> memref<1x16x1024xf32, #tpu.memory_space<vmem>>
    %dma_start3A_830 = tpu.memref_squeeze %dma_start3A_829 : memref<1x16x1024xf32, #tpu.memory_space<vmem>> -> memref<16x1024xf32, #tpu.memory_space<vmem>>
    %dma_start3A_831 = arith.constant 0 : i32
    %dma_start3A_832 = tpu.memref_slice %arg3[%add3A_824, %dma_start3A_831] : memref<8192x1024xf32, #tpu.memory_space<hbm>> -> memref<16x1024xf32, #tpu.memory_space<hbm>>
    %dma_start3A_833 = tpu.memref_slice %arg6[%dma_start3A_826] : memref<7x!tpu.dma_semaphore, #tpu.memory_space<semaphore_mem>> -> memref<1x!tpu.dma_semaphore, #tpu.memory_space<semaphore_mem>>
    %dma_start3A_834 = tpu.memref_squeeze %dma_start3A_833 : memref<1x!tpu.dma_semaphore, #tpu.memory_space<semaphore_mem>> -> memref<!tpu.dma_semaphore, #tpu.memory_space<semaphore_mem>>
    %dma_start3A_835 = arith.constant 0 : i32
    %dma_start3A_836 = tpu.memref_slice %arg3[%add3A_824, %dma_start3A_835] : memref<8192x1024xf32, #tpu.memory_space<hbm>> -> memref<16x1024xf32, #tpu.memory_space<hbm>>
    %dma_start3A_837 = arith.constant 0 : i32
    %dma_start3A_838 = arith.constant 0 : i32
    %dma_start3A_839 = tpu.memref_slice %arg4[%dma_start3A_825, %dma_start3A_837, %dma_start3A_838] : memref<7x16x1024xf32, #tpu.memory_space<vmem>> -> memref<1x16x1024xf32, #tpu.memory_space<vmem>>
    %dma_start3A_840 = tpu.memref_squeeze %dma_start3A_839 : memref<1x16x1024xf32, #tpu.memory_space<vmem>> -> memref<16x1024xf32, #tpu.memory_space<vmem>>
    tpu.enqueue_dma source(%dma_start3A_840 : memref<16x1024xf32, #tpu.memory_space<vmem>>) target(%dma_start3A_836 : memref<16x1024xf32, #tpu.memory_space<hbm>>) target_semaphore(%dma_start3A_834 : memref<!tpu.dma_semaphore, #tpu.memory_space<semaphore_mem>>)
    %dma_wait3A_841 = arith.constant 5 : i32
    %dma_wait3A_842 = arith.constant 5 : i32
    %dma_wait3A_843 = arith.constant 0 : i32
    %dma_wait3A_844 = arith.constant 0 : i32
    %dma_wait3A_845 = tpu.memref_slice %arg4[%dma_wait3A_841, %dma_wait3A_843, %dma_wait3A_844] : memref<7x16x1024xf32, #tpu.memory_space<vmem>> -> memref<1x16x1024xf32, #tpu.memory_space<vmem>>
    %dma_wait3A_846 = tpu.memref_squeeze %dma_wait3A_845 : memref<1x16x1024xf32, #tpu.memory_space<vmem>> -> memref<16x1024xf32, #tpu.memory_space<vmem>>
    %dma_wait3A_847 = arith.constant 0 : i32
    %dma_wait3A_848 = tpu.memref_slice %arg2[%add3A_552, %dma_wait3A_847] : memref<8192x1024xf32, #tpu.memory_space<hbm>> -> memref<16x1024xf32, #tpu.memory_space<hbm>>
    %dma_wait3A_849 = tpu.memref_slice %arg5[%dma_wait3A_842] : memref<7x!tpu.dma_semaphore, #tpu.memory_space<semaphore_mem>> -> memref<1x!tpu.dma_semaphore, #tpu.memory_space<semaphore_mem>>
    %dma_wait3A_850 = tpu.memref_squeeze %dma_wait3A_849 : memref<1x!tpu.dma_semaphore, #tpu.memory_space<semaphore_mem>> -> memref<!tpu.dma_semaphore, #tpu.memory_space<semaphore_mem>>
    %dma_wait3A_851 = arith.constant 0 : i32
    %dma_wait3A_852 = arith.constant 0 : i32
    %dma_wait3A_853 = tpu.memref_slice %arg4[%dma_wait3A_841, %dma_wait3A_851, %dma_wait3A_852] : memref<7x16x1024xf32, #tpu.memory_space<vmem>> -> memref<1x16x1024xf32, #tpu.memory_space<vmem>>
    %dma_wait3A_854 = tpu.memref_squeeze %dma_wait3A_853 : memref<1x16x1024xf32, #tpu.memory_space<vmem>> -> memref<16x1024xf32, #tpu.memory_space<vmem>>
    %dma_wait3A_855 = arith.constant 0 : i32
    %dma_wait3A_856 = tpu.memref_slice %arg2[%add3A_552, %dma_wait3A_855] : memref<8192x1024xf32, #tpu.memory_space<hbm>> -> memref<16x1024xf32, #tpu.memory_space<hbm>>
    tpu.wait_dma2 semaphore(%dma_wait3A_850 : memref<!tpu.dma_semaphore, #tpu.memory_space<semaphore_mem>>) src(%dma_wait3A_856 : memref<16x1024xf32, #tpu.memory_space<hbm>>) dst(%dma_wait3A_854 : memref<16x1024xf32, #tpu.memory_space<vmem>>)
    %add3A_857 = arith.constant 192 : i32
    %add3A_858 = arith.addi %mul3A_2, %add3A_857 : i32
    %dma_start3A_859 = arith.constant 5 : i32
    %dma_start3A_860 = arith.constant 5 : i32
    %dma_start3A_861 = arith.constant 0 : i32
    %dma_start3A_862 = arith.constant 0 : i32
    %dma_start3A_863 = tpu.memref_slice %arg4[%dma_start3A_859, %dma_start3A_861, %dma_start3A_862] : memref<7x16x1024xf32, #tpu.memory_space<vmem>> -> memref<1x16x1024xf32, #tpu.memory_space<vmem>>
    %dma_start3A_864 = tpu.memref_squeeze %dma_start3A_863 : memref<1x16x1024xf32, #tpu.memory_space<vmem>> -> memref<16x1024xf32, #tpu.memory_space<vmem>>
    %dma_start3A_865 = arith.constant 0 : i32
    %dma_start3A_866 = tpu.memref_slice %arg3[%add3A_858, %dma_start3A_865] : memref<8192x1024xf32, #tpu.memory_space<hbm>> -> memref<16x1024xf32, #tpu.memory_space<hbm>>
    %dma_start3A_867 = tpu.memref_slice %arg6[%dma_start3A_860] : memref<7x!tpu.dma_semaphore, #tpu.memory_space<semaphore_mem>> -> memref<1x!tpu.dma_semaphore, #tpu.memory_space<semaphore_mem>>
    %dma_start3A_868 = tpu.memref_squeeze %dma_start3A_867 : memref<1x!tpu.dma_semaphore, #tpu.memory_space<semaphore_mem>> -> memref<!tpu.dma_semaphore, #tpu.memory_space<semaphore_mem>>
    %dma_start3A_869 = arith.constant 0 : i32
    %dma_start3A_870 = tpu.memref_slice %arg3[%add3A_858, %dma_start3A_869] : memref<8192x1024xf32, #tpu.memory_space<hbm>> -> memref<16x1024xf32, #tpu.memory_space<hbm>>
    %dma_start3A_871 = arith.constant 0 : i32
    %dma_start3A_872 = arith.constant 0 : i32
    %dma_start3A_873 = tpu.memref_slice %arg4[%dma_start3A_859, %dma_start3A_871, %dma_start3A_872] : memref<7x16x1024xf32, #tpu.memory_space<vmem>> -> memref<1x16x1024xf32, #tpu.memory_space<vmem>>
    %dma_start3A_874 = tpu.memref_squeeze %dma_start3A_873 : memref<1x16x1024xf32, #tpu.memory_space<vmem>> -> memref<16x1024xf32, #tpu.memory_space<vmem>>
    tpu.enqueue_dma source(%dma_start3A_874 : memref<16x1024xf32, #tpu.memory_space<vmem>>) target(%dma_start3A_870 : memref<16x1024xf32, #tpu.memory_space<hbm>>) target_semaphore(%dma_start3A_868 : memref<!tpu.dma_semaphore, #tpu.memory_space<semaphore_mem>>)
    %dma_wait3A_875 = arith.constant 6 : i32
    %dma_wait3A_876 = arith.constant 6 : i32
    %dma_wait3A_877 = arith.constant 0 : i32
    %dma_wait3A_878 = arith.constant 0 : i32
    %dma_wait3A_879 = tpu.memref_slice %arg4[%dma_wait3A_875, %dma_wait3A_877, %dma_wait3A_878] : memref<7x16x1024xf32, #tpu.memory_space<vmem>> -> memref<1x16x1024xf32, #tpu.memory_space<vmem>>
    %dma_wait3A_880 = tpu.memref_squeeze %dma_wait3A_879 : memref<1x16x1024xf32, #tpu.memory_space<vmem>> -> memref<16x1024xf32, #tpu.memory_space<vmem>>
    %dma_wait3A_881 = arith.constant 0 : i32
    %dma_wait3A_882 = tpu.memref_slice %arg2[%add3A_620, %dma_wait3A_881] : memref<8192x1024xf32, #tpu.memory_space<hbm>> -> memref<16x1024xf32, #tpu.memory_space<hbm>>
    %dma_wait3A_883 = tpu.memref_slice %arg5[%dma_wait3A_876] : memref<7x!tpu.dma_semaphore, #tpu.memory_space<semaphore_mem>> -> memref<1x!tpu.dma_semaphore, #tpu.memory_space<semaphore_mem>>
    %dma_wait3A_884 = tpu.memref_squeeze %dma_wait3A_883 : memref<1x!tpu.dma_semaphore, #tpu.memory_space<semaphore_mem>> -> memref<!tpu.dma_semaphore, #tpu.memory_space<semaphore_mem>>
    %dma_wait3A_885 = arith.constant 0 : i32
    %dma_wait3A_886 = arith.constant 0 : i32
    %dma_wait3A_887 = tpu.memref_slice %arg4[%dma_wait3A_875, %dma_wait3A_885, %dma_wait3A_886] : memref<7x16x1024xf32, #tpu.memory_space<vmem>> -> memref<1x16x1024xf32, #tpu.memory_space<vmem>>
    %dma_wait3A_888 = tpu.memref_squeeze %dma_wait3A_887 : memref<1x16x1024xf32, #tpu.memory_space<vmem>> -> memref<16x1024xf32, #tpu.memory_space<vmem>>
    %dma_wait3A_889 = arith.constant 0 : i32
    %dma_wait3A_890 = tpu.memref_slice %arg2[%add3A_620, %dma_wait3A_889] : memref<8192x1024xf32, #tpu.memory_space<hbm>> -> memref<16x1024xf32, #tpu.memory_space<hbm>>
    tpu.wait_dma2 semaphore(%dma_wait3A_884 : memref<!tpu.dma_semaphore, #tpu.memory_space<semaphore_mem>>) src(%dma_wait3A_890 : memref<16x1024xf32, #tpu.memory_space<hbm>>) dst(%dma_wait3A_888 : memref<16x1024xf32, #tpu.memory_space<vmem>>)
    %add3A_891 = arith.constant 208 : i32
    %add3A_892 = arith.addi %mul3A_2, %add3A_891 : i32
    %dma_start3A_893 = arith.constant 6 : i32
    %dma_start3A_894 = arith.constant 6 : i32
    %dma_start3A_895 = arith.constant 0 : i32
    %dma_start3A_896 = arith.constant 0 : i32
    %dma_start3A_897 = tpu.memref_slice %arg4[%dma_start3A_893, %dma_start3A_895, %dma_start3A_896] : memref<7x16x1024xf32, #tpu.memory_space<vmem>> -> memref<1x16x1024xf32, #tpu.memory_space<vmem>>
    %dma_start3A_898 = tpu.memref_squeeze %dma_start3A_897 : memref<1x16x1024xf32, #tpu.memory_space<vmem>> -> memref<16x1024xf32, #tpu.memory_space<vmem>>
    %dma_start3A_899 = arith.constant 0 : i32
    %dma_start3A_900 = tpu.memref_slice %arg3[%add3A_892, %dma_start3A_899] : memref<8192x1024xf32, #tpu.memory_space<hbm>> -> memref<16x1024xf32, #tpu.memory_space<hbm>>
    %dma_start3A_901 = tpu.memref_slice %arg6[%dma_start3A_894] : memref<7x!tpu.dma_semaphore, #tpu.memory_space<semaphore_mem>> -> memref<1x!tpu.dma_semaphore, #tpu.memory_space<semaphore_mem>>
    %dma_start3A_902 = tpu.memref_squeeze %dma_start3A_901 : memref<1x!tpu.dma_semaphore, #tpu.memory_space<semaphore_mem>> -> memref<!tpu.dma_semaphore, #tpu.memory_space<semaphore_mem>>
    %dma_start3A_903 = arith.constant 0 : i32
    %dma_start3A_904 = tpu.memref_slice %arg3[%add3A_892, %dma_start3A_903] : memref<8192x1024xf32, #tpu.memory_space<hbm>> -> memref<16x1024xf32, #tpu.memory_space<hbm>>
    %dma_start3A_905 = arith.constant 0 : i32
    %dma_start3A_906 = arith.constant 0 : i32
    %dma_start3A_907 = tpu.memref_slice %arg4[%dma_start3A_893, %dma_start3A_905, %dma_start3A_906] : memref<7x16x1024xf32, #tpu.memory_space<vmem>> -> memref<1x16x1024xf32, #tpu.memory_space<vmem>>
    %dma_start3A_908 = tpu.memref_squeeze %dma_start3A_907 : memref<1x16x1024xf32, #tpu.memory_space<vmem>> -> memref<16x1024xf32, #tpu.memory_space<vmem>>
    tpu.enqueue_dma source(%dma_start3A_908 : memref<16x1024xf32, #tpu.memory_space<vmem>>) target(%dma_start3A_904 : memref<16x1024xf32, #tpu.memory_space<hbm>>) target_semaphore(%dma_start3A_902 : memref<!tpu.dma_semaphore, #tpu.memory_space<semaphore_mem>>)
    %dma_wait3A_909 = arith.constant 0 : i32
    %dma_wait3A_910 = arith.constant 0 : i32
    %dma_wait3A_911 = arith.constant 0 : i32
    %dma_wait3A_912 = arith.constant 0 : i32
    %dma_wait3A_913 = tpu.memref_slice %arg4[%dma_wait3A_909, %dma_wait3A_911, %dma_wait3A_912] : memref<7x16x1024xf32, #tpu.memory_space<vmem>> -> memref<1x16x1024xf32, #tpu.memory_space<vmem>>
    %dma_wait3A_914 = tpu.memref_squeeze %dma_wait3A_913 : memref<1x16x1024xf32, #tpu.memory_space<vmem>> -> memref<16x1024xf32, #tpu.memory_space<vmem>>
    %dma_wait3A_915 = arith.constant 0 : i32
    %dma_wait3A_916 = tpu.memref_slice %arg2[%add3A_688, %dma_wait3A_915] : memref<8192x1024xf32, #tpu.memory_space<hbm>> -> memref<16x1024xf32, #tpu.memory_space<hbm>>
    %dma_wait3A_917 = tpu.memref_slice %arg5[%dma_wait3A_910] : memref<7x!tpu.dma_semaphore, #tpu.memory_space<semaphore_mem>> -> memref<1x!tpu.dma_semaphore, #tpu.memory_space<semaphore_mem>>
    %dma_wait3A_918 = tpu.memref_squeeze %dma_wait3A_917 : memref<1x!tpu.dma_semaphore, #tpu.memory_space<semaphore_mem>> -> memref<!tpu.dma_semaphore, #tpu.memory_space<semaphore_mem>>
    %dma_wait3A_919 = arith.constant 0 : i32
    %dma_wait3A_920 = arith.constant 0 : i32
    %dma_wait3A_921 = tpu.memref_slice %arg4[%dma_wait3A_909, %dma_wait3A_919, %dma_wait3A_920] : memref<7x16x1024xf32, #tpu.memory_space<vmem>> -> memref<1x16x1024xf32, #tpu.memory_space<vmem>>
    %dma_wait3A_922 = tpu.memref_squeeze %dma_wait3A_921 : memref<1x16x1024xf32, #tpu.memory_space<vmem>> -> memref<16x1024xf32, #tpu.memory_space<vmem>>
    %dma_wait3A_923 = arith.constant 0 : i32
    %dma_wait3A_924 = tpu.memref_slice %arg2[%add3A_688, %dma_wait3A_923] : memref<8192x1024xf32, #tpu.memory_space<hbm>> -> memref<16x1024xf32, #tpu.memory_space<hbm>>
    tpu.wait_dma2 semaphore(%dma_wait3A_918 : memref<!tpu.dma_semaphore, #tpu.memory_space<semaphore_mem>>) src(%dma_wait3A_924 : memref<16x1024xf32, #tpu.memory_space<hbm>>) dst(%dma_wait3A_922 : memref<16x1024xf32, #tpu.memory_space<vmem>>)
    %add3A_925 = arith.constant 224 : i32
    %add3A_926 = arith.addi %mul3A_2, %add3A_925 : i32
    %dma_start3A_927 = arith.constant 0 : i32
    %dma_start3A_928 = arith.constant 0 : i32
    %dma_start3A_929 = arith.constant 0 : i32
    %dma_start3A_930 = arith.constant 0 : i32
    %dma_start3A_931 = tpu.memref_slice %arg4[%dma_start3A_927, %dma_start3A_929, %dma_start3A_930] : memref<7x16x1024xf32, #tpu.memory_space<vmem>> -> memref<1x16x1024xf32, #tpu.memory_space<vmem>>
    %dma_start3A_932 = tpu.memref_squeeze %dma_start3A_931 : memref<1x16x1024xf32, #tpu.memory_space<vmem>> -> memref<16x1024xf32, #tpu.memory_space<vmem>>
    %dma_start3A_933 = arith.constant 0 : i32
    %dma_start3A_934 = tpu.memref_slice %arg3[%add3A_926, %dma_start3A_933] : memref<8192x1024xf32, #tpu.memory_space<hbm>> -> memref<16x1024xf32, #tpu.memory_space<hbm>>
    %dma_start3A_935 = tpu.memref_slice %arg6[%dma_start3A_928] : memref<7x!tpu.dma_semaphore, #tpu.memory_space<semaphore_mem>> -> memref<1x!tpu.dma_semaphore, #tpu.memory_space<semaphore_mem>>
    %dma_start3A_936 = tpu.memref_squeeze %dma_start3A_935 : memref<1x!tpu.dma_semaphore, #tpu.memory_space<semaphore_mem>> -> memref<!tpu.dma_semaphore, #tpu.memory_space<semaphore_mem>>
    %dma_start3A_937 = arith.constant 0 : i32
    %dma_start3A_938 = tpu.memref_slice %arg3[%add3A_926, %dma_start3A_937] : memref<8192x1024xf32, #tpu.memory_space<hbm>> -> memref<16x1024xf32, #tpu.memory_space<hbm>>
    %dma_start3A_939 = arith.constant 0 : i32
    %dma_start3A_940 = arith.constant 0 : i32
    %dma_start3A_941 = tpu.memref_slice %arg4[%dma_start3A_927, %dma_start3A_939, %dma_start3A_940] : memref<7x16x1024xf32, #tpu.memory_space<vmem>> -> memref<1x16x1024xf32, #tpu.memory_space<vmem>>
    %dma_start3A_942 = tpu.memref_squeeze %dma_start3A_941 : memref<1x16x1024xf32, #tpu.memory_space<vmem>> -> memref<16x1024xf32, #tpu.memory_space<vmem>>
    tpu.enqueue_dma source(%dma_start3A_942 : memref<16x1024xf32, #tpu.memory_space<vmem>>) target(%dma_start3A_938 : memref<16x1024xf32, #tpu.memory_space<hbm>>) target_semaphore(%dma_start3A_936 : memref<!tpu.dma_semaphore, #tpu.memory_space<semaphore_mem>>)
    %dma_wait3A_943 = arith.constant 1 : i32
    %dma_wait3A_944 = arith.constant 1 : i32
    %dma_wait3A_945 = arith.constant 0 : i32
    %dma_wait3A_946 = arith.constant 0 : i32
    %dma_wait3A_947 = tpu.memref_slice %arg4[%dma_wait3A_943, %dma_wait3A_945, %dma_wait3A_946] : memref<7x16x1024xf32, #tpu.memory_space<vmem>> -> memref<1x16x1024xf32, #tpu.memory_space<vmem>>
    %dma_wait3A_948 = tpu.memref_squeeze %dma_wait3A_947 : memref<1x16x1024xf32, #tpu.memory_space<vmem>> -> memref<16x1024xf32, #tpu.memory_space<vmem>>
    %dma_wait3A_949 = arith.constant 0 : i32
    %dma_wait3A_950 = tpu.memref_slice %arg2[%add3A_756, %dma_wait3A_949] : memref<8192x1024xf32, #tpu.memory_space<hbm>> -> memref<16x1024xf32, #tpu.memory_space<hbm>>
    %dma_wait3A_951 = tpu.memref_slice %arg5[%dma_wait3A_944] : memref<7x!tpu.dma_semaphore, #tpu.memory_space<semaphore_mem>> -> memref<1x!tpu.dma_semaphore, #tpu.memory_space<semaphore_mem>>
    %dma_wait3A_952 = tpu.memref_squeeze %dma_wait3A_951 : memref<1x!tpu.dma_semaphore, #tpu.memory_space<semaphore_mem>> -> memref<!tpu.dma_semaphore, #tpu.memory_space<semaphore_mem>>
    %dma_wait3A_953 = arith.constant 0 : i32
    %dma_wait3A_954 = arith.constant 0 : i32
    %dma_wait3A_955 = tpu.memref_slice %arg4[%dma_wait3A_943, %dma_wait3A_953, %dma_wait3A_954] : memref<7x16x1024xf32, #tpu.memory_space<vmem>> -> memref<1x16x1024xf32, #tpu.memory_space<vmem>>
    %dma_wait3A_956 = tpu.memref_squeeze %dma_wait3A_955 : memref<1x16x1024xf32, #tpu.memory_space<vmem>> -> memref<16x1024xf32, #tpu.memory_space<vmem>>
    %dma_wait3A_957 = arith.constant 0 : i32
    %dma_wait3A_958 = tpu.memref_slice %arg2[%add3A_756, %dma_wait3A_957] : memref<8192x1024xf32, #tpu.memory_space<hbm>> -> memref<16x1024xf32, #tpu.memory_space<hbm>>
    tpu.wait_dma2 semaphore(%dma_wait3A_952 : memref<!tpu.dma_semaphore, #tpu.memory_space<semaphore_mem>>) src(%dma_wait3A_958 : memref<16x1024xf32, #tpu.memory_space<hbm>>) dst(%dma_wait3A_956 : memref<16x1024xf32, #tpu.memory_space<vmem>>)
    %add3A_959 = arith.constant 240 : i32
    %add3A_960 = arith.addi %mul3A_2, %add3A_959 : i32
    %dma_start3A_961 = arith.constant 1 : i32
    %dma_start3A_962 = arith.constant 1 : i32
    %dma_start3A_963 = arith.constant 0 : i32
    %dma_start3A_964 = arith.constant 0 : i32
    %dma_start3A_965 = tpu.memref_slice %arg4[%dma_start3A_961, %dma_start3A_963, %dma_start3A_964] : memref<7x16x1024xf32, #tpu.memory_space<vmem>> -> memref<1x16x1024xf32, #tpu.memory_space<vmem>>
    %dma_start3A_966 = tpu.memref_squeeze %dma_start3A_965 : memref<1x16x1024xf32, #tpu.memory_space<vmem>> -> memref<16x1024xf32, #tpu.memory_space<vmem>>
    %dma_start3A_967 = arith.constant 0 : i32
    %dma_start3A_968 = tpu.memref_slice %arg3[%add3A_960, %dma_start3A_967] : memref<8192x1024xf32, #tpu.memory_space<hbm>> -> memref<16x1024xf32, #tpu.memory_space<hbm>>
    %dma_start3A_969 = tpu.memref_slice %arg6[%dma_start3A_962] : memref<7x!tpu.dma_semaphore, #tpu.memory_space<semaphore_mem>> -> memref<1x!tpu.dma_semaphore, #tpu.memory_space<semaphore_mem>>
    %dma_start3A_970 = tpu.memref_squeeze %dma_start3A_969 : memref<1x!tpu.dma_semaphore, #tpu.memory_space<semaphore_mem>> -> memref<!tpu.dma_semaphore, #tpu.memory_space<semaphore_mem>>
    %dma_start3A_971 = arith.constant 0 : i32
    %dma_start3A_972 = tpu.memref_slice %arg3[%add3A_960, %dma_start3A_971] : memref<8192x1024xf32, #tpu.memory_space<hbm>> -> memref<16x1024xf32, #tpu.memory_space<hbm>>
    %dma_start3A_973 = arith.constant 0 : i32
    %dma_start3A_974 = arith.constant 0 : i32
    %dma_start3A_975 = tpu.memref_slice %arg4[%dma_start3A_961, %dma_start3A_973, %dma_start3A_974] : memref<7x16x1024xf32, #tpu.memory_space<vmem>> -> memref<1x16x1024xf32, #tpu.memory_space<vmem>>
    %dma_start3A_976 = tpu.memref_squeeze %dma_start3A_975 : memref<1x16x1024xf32, #tpu.memory_space<vmem>> -> memref<16x1024xf32, #tpu.memory_space<vmem>>
    tpu.enqueue_dma source(%dma_start3A_976 : memref<16x1024xf32, #tpu.memory_space<vmem>>) target(%dma_start3A_972 : memref<16x1024xf32, #tpu.memory_space<hbm>>) target_semaphore(%dma_start3A_970 : memref<!tpu.dma_semaphore, #tpu.memory_space<semaphore_mem>>)
    %dma_wait3A_977 = arith.constant 2 : i32
    %dma_wait3A_978 = arith.constant 2 : i32
    %dma_wait3A_979 = arith.constant 0 : i32
    %dma_wait3A_980 = arith.constant 0 : i32
    %dma_wait3A_981 = tpu.memref_slice %arg4[%dma_wait3A_977, %dma_wait3A_979, %dma_wait3A_980] : memref<7x16x1024xf32, #tpu.memory_space<vmem>> -> memref<1x16x1024xf32, #tpu.memory_space<vmem>>
    %dma_wait3A_982 = tpu.memref_squeeze %dma_wait3A_981 : memref<1x16x1024xf32, #tpu.memory_space<vmem>> -> memref<16x1024xf32, #tpu.memory_space<vmem>>
    %dma_wait3A_983 = arith.constant 0 : i32
    %dma_wait3A_984 = tpu.memref_slice %arg3[%add3A_722, %dma_wait3A_983] : memref<8192x1024xf32, #tpu.memory_space<hbm>> -> memref<16x1024xf32, #tpu.memory_space<hbm>>
    %dma_wait3A_985 = tpu.memref_slice %arg6[%dma_wait3A_978] : memref<7x!tpu.dma_semaphore, #tpu.memory_space<semaphore_mem>> -> memref<1x!tpu.dma_semaphore, #tpu.memory_space<semaphore_mem>>
    %dma_wait3A_986 = tpu.memref_squeeze %dma_wait3A_985 : memref<1x!tpu.dma_semaphore, #tpu.memory_space<semaphore_mem>> -> memref<!tpu.dma_semaphore, #tpu.memory_space<semaphore_mem>>
    %dma_wait3A_987 = arith.constant 0 : i32
    %dma_wait3A_988 = tpu.memref_slice %arg3[%add3A_722, %dma_wait3A_987] : memref<8192x1024xf32, #tpu.memory_space<hbm>> -> memref<16x1024xf32, #tpu.memory_space<hbm>>
    %dma_wait3A_989 = arith.constant 0 : i32
    %dma_wait3A_990 = arith.constant 0 : i32
    %dma_wait3A_991 = tpu.memref_slice %arg4[%dma_wait3A_977, %dma_wait3A_989, %dma_wait3A_990] : memref<7x16x1024xf32, #tpu.memory_space<vmem>> -> memref<1x16x1024xf32, #tpu.memory_space<vmem>>
    %dma_wait3A_992 = tpu.memref_squeeze %dma_wait3A_991 : memref<1x16x1024xf32, #tpu.memory_space<vmem>> -> memref<16x1024xf32, #tpu.memory_space<vmem>>
    tpu.wait_dma2 semaphore(%dma_wait3A_986 : memref<!tpu.dma_semaphore, #tpu.memory_space<semaphore_mem>>) src(%dma_wait3A_992 : memref<16x1024xf32, #tpu.memory_space<vmem>>) dst(%dma_wait3A_988 : memref<16x1024xf32, #tpu.memory_space<hbm>>)
    %dma_wait3A_993 = arith.constant 3 : i32
    %dma_wait3A_994 = arith.constant 3 : i32
    %dma_wait3A_995 = arith.constant 0 : i32
    %dma_wait3A_996 = arith.constant 0 : i32
    %dma_wait3A_997 = tpu.memref_slice %arg4[%dma_wait3A_993, %dma_wait3A_995, %dma_wait3A_996] : memref<7x16x1024xf32, #tpu.memory_space<vmem>> -> memref<1x16x1024xf32, #tpu.memory_space<vmem>>
    %dma_wait3A_998 = tpu.memref_squeeze %dma_wait3A_997 : memref<1x16x1024xf32, #tpu.memory_space<vmem>> -> memref<16x1024xf32, #tpu.memory_space<vmem>>
    %dma_wait3A_999 = arith.constant 0 : i32
    %dma_wait3A_1000 = tpu.memref_slice %arg3[%add3A_790, %dma_wait3A_999] : memref<8192x1024xf32, #tpu.memory_space<hbm>> -> memref<16x1024xf32, #tpu.memory_space<hbm>>
    %dma_wait3A_1001 = tpu.memref_slice %arg6[%dma_wait3A_994] : memref<7x!tpu.dma_semaphore, #tpu.memory_space<semaphore_mem>> -> memref<1x!tpu.dma_semaphore, #tpu.memory_space<semaphore_mem>>
    %dma_wait3A_1002 = tpu.memref_squeeze %dma_wait3A_1001 : memref<1x!tpu.dma_semaphore, #tpu.memory_space<semaphore_mem>> -> memref<!tpu.dma_semaphore, #tpu.memory_space<semaphore_mem>>
    %dma_wait3A_1003 = arith.constant 0 : i32
    %dma_wait3A_1004 = tpu.memref_slice %arg3[%add3A_790, %dma_wait3A_1003] : memref<8192x1024xf32, #tpu.memory_space<hbm>> -> memref<16x1024xf32, #tpu.memory_space<hbm>>
    %dma_wait3A_1005 = arith.constant 0 : i32
    %dma_wait3A_1006 = arith.constant 0 : i32
    %dma_wait3A_1007 = tpu.memref_slice %arg4[%dma_wait3A_993, %dma_wait3A_1005, %dma_wait3A_1006] : memref<7x16x1024xf32, #tpu.memory_space<vmem>> -> memref<1x16x1024xf32, #tpu.memory_space<vmem>>
    %dma_wait3A_1008 = tpu.memref_squeeze %dma_wait3A_1007 : memref<1x16x1024xf32, #tpu.memory_space<vmem>> -> memref<16x1024xf32, #tpu.memory_space<vmem>>
    tpu.wait_dma2 semaphore(%dma_wait3A_1002 : memref<!tpu.dma_semaphore, #tpu.memory_space<semaphore_mem>>) src(%dma_wait3A_1008 : memref<16x1024xf32, #tpu.memory_space<vmem>>) dst(%dma_wait3A_1004 : memref<16x1024xf32, #tpu.memory_space<hbm>>)
    %dma_wait3A_1009 = arith.constant 4 : i32
    %dma_wait3A_1010 = arith.constant 4 : i32
    %dma_wait3A_1011 = arith.constant 0 : i32
    %dma_wait3A_1012 = arith.constant 0 : i32
    %dma_wait3A_1013 = tpu.memref_slice %arg4[%dma_wait3A_1009, %dma_wait3A_1011, %dma_wait3A_1012] : memref<7x16x1024xf32, #tpu.memory_space<vmem>> -> memref<1x16x1024xf32, #tpu.memory_space<vmem>>
    %dma_wait3A_1014 = tpu.memref_squeeze %dma_wait3A_1013 : memref<1x16x1024xf32, #tpu.memory_space<vmem>> -> memref<16x1024xf32, #tpu.memory_space<vmem>>
    %dma_wait3A_1015 = arith.constant 0 : i32
    %dma_wait3A_1016 = tpu.memref_slice %arg3[%add3A_824, %dma_wait3A_1015] : memref<8192x1024xf32, #tpu.memory_space<hbm>> -> memref<16x1024xf32, #tpu.memory_space<hbm>>
    %dma_wait3A_1017 = tpu.memref_slice %arg6[%dma_wait3A_1010] : memref<7x!tpu.dma_semaphore, #tpu.memory_space<semaphore_mem>> -> memref<1x!tpu.dma_semaphore, #tpu.memory_space<semaphore_mem>>
    %dma_wait3A_1018 = tpu.memref_squeeze %dma_wait3A_1017 : memref<1x!tpu.dma_semaphore, #tpu.memory_space<semaphore_mem>> -> memref<!tpu.dma_semaphore, #tpu.memory_space<semaphore_mem>>
    %dma_wait3A_1019 = arith.constant 0 : i32
    %dma_wait3A_1020 = tpu.memref_slice %arg3[%add3A_824, %dma_wait3A_1019] : memref<8192x1024xf32, #tpu.memory_space<hbm>> -> memref<16x1024xf32, #tpu.memory_space<hbm>>
    %dma_wait3A_1021 = arith.constant 0 : i32
    %dma_wait3A_1022 = arith.constant 0 : i32
    %dma_wait3A_1023 = tpu.memref_slice %arg4[%dma_wait3A_1009, %dma_wait3A_1021, %dma_wait3A_1022] : memref<7x16x1024xf32, #tpu.memory_space<vmem>> -> memref<1x16x1024xf32, #tpu.memory_space<vmem>>
    %dma_wait3A_1024 = tpu.memref_squeeze %dma_wait3A_1023 : memref<1x16x1024xf32, #tpu.memory_space<vmem>> -> memref<16x1024xf32, #tpu.memory_space<vmem>>
    tpu.wait_dma2 semaphore(%dma_wait3A_1018 : memref<!tpu.dma_semaphore, #tpu.memory_space<semaphore_mem>>) src(%dma_wait3A_1024 : memref<16x1024xf32, #tpu.memory_space<vmem>>) dst(%dma_wait3A_1020 : memref<16x1024xf32, #tpu.memory_space<hbm>>)
    %dma_wait3A_1025 = arith.constant 5 : i32
    %dma_wait3A_1026 = arith.constant 5 : i32
    %dma_wait3A_1027 = arith.constant 0 : i32
    %dma_wait3A_1028 = arith.constant 0 : i32
    %dma_wait3A_1029 = tpu.memref_slice %arg4[%dma_wait3A_1025, %dma_wait3A_1027, %dma_wait3A_1028] : memref<7x16x1024xf32, #tpu.memory_space<vmem>> -> memref<1x16x1024xf32, #tpu.memory_space<vmem>>
    %dma_wait3A_1030 = tpu.memref_squeeze %dma_wait3A_1029 : memref<1x16x1024xf32, #tpu.memory_space<vmem>> -> memref<16x1024xf32, #tpu.memory_space<vmem>>
    %dma_wait3A_1031 = arith.constant 0 : i32
    %dma_wait3A_1032 = tpu.memref_slice %arg3[%add3A_858, %dma_wait3A_1031] : memref<8192x1024xf32, #tpu.memory_space<hbm>> -> memref<16x1024xf32, #tpu.memory_space<hbm>>
    %dma_wait3A_1033 = tpu.memref_slice %arg6[%dma_wait3A_1026] : memref<7x!tpu.dma_semaphore, #tpu.memory_space<semaphore_mem>> -> memref<1x!tpu.dma_semaphore, #tpu.memory_space<semaphore_mem>>
    %dma_wait3A_1034 = tpu.memref_squeeze %dma_wait3A_1033 : memref<1x!tpu.dma_semaphore, #tpu.memory_space<semaphore_mem>> -> memref<!tpu.dma_semaphore, #tpu.memory_space<semaphore_mem>>
    %dma_wait3A_1035 = arith.constant 0 : i32
    %dma_wait3A_1036 = tpu.memref_slice %arg3[%add3A_858, %dma_wait3A_1035] : memref<8192x1024xf32, #tpu.memory_space<hbm>> -> memref<16x1024xf32, #tpu.memory_space<hbm>>
    %dma_wait3A_1037 = arith.constant 0 : i32
    %dma_wait3A_1038 = arith.constant 0 : i32
    %dma_wait3A_1039 = tpu.memref_slice %arg4[%dma_wait3A_1025, %dma_wait3A_1037, %dma_wait3A_1038] : memref<7x16x1024xf32, #tpu.memory_space<vmem>> -> memref<1x16x1024xf32, #tpu.memory_space<vmem>>
    %dma_wait3A_1040 = tpu.memref_squeeze %dma_wait3A_1039 : memref<1x16x1024xf32, #tpu.memory_space<vmem>> -> memref<16x1024xf32, #tpu.memory_space<vmem>>
    tpu.wait_dma2 semaphore(%dma_wait3A_1034 : memref<!tpu.dma_semaphore, #tpu.memory_space<semaphore_mem>>) src(%dma_wait3A_1040 : memref<16x1024xf32, #tpu.memory_space<vmem>>) dst(%dma_wait3A_1036 : memref<16x1024xf32, #tpu.memory_space<hbm>>)
    %dma_wait3A_1041 = arith.constant 6 : i32
    %dma_wait3A_1042 = arith.constant 6 : i32
    %dma_wait3A_1043 = arith.constant 0 : i32
    %dma_wait3A_1044 = arith.constant 0 : i32
    %dma_wait3A_1045 = tpu.memref_slice %arg4[%dma_wait3A_1041, %dma_wait3A_1043, %dma_wait3A_1044] : memref<7x16x1024xf32, #tpu.memory_space<vmem>> -> memref<1x16x1024xf32, #tpu.memory_space<vmem>>
    %dma_wait3A_1046 = tpu.memref_squeeze %dma_wait3A_1045 : memref<1x16x1024xf32, #tpu.memory_space<vmem>> -> memref<16x1024xf32, #tpu.memory_space<vmem>>
    %dma_wait3A_1047 = arith.constant 0 : i32
    %dma_wait3A_1048 = tpu.memref_slice %arg3[%add3A_892, %dma_wait3A_1047] : memref<8192x1024xf32, #tpu.memory_space<hbm>> -> memref<16x1024xf32, #tpu.memory_space<hbm>>
    %dma_wait3A_1049 = tpu.memref_slice %arg6[%dma_wait3A_1042] : memref<7x!tpu.dma_semaphore, #tpu.memory_space<semaphore_mem>> -> memref<1x!tpu.dma_semaphore, #tpu.memory_space<semaphore_mem>>
    %dma_wait3A_1050 = tpu.memref_squeeze %dma_wait3A_1049 : memref<1x!tpu.dma_semaphore, #tpu.memory_space<semaphore_mem>> -> memref<!tpu.dma_semaphore, #tpu.memory_space<semaphore_mem>>
    %dma_wait3A_1051 = arith.constant 0 : i32
    %dma_wait3A_1052 = tpu.memref_slice %arg3[%add3A_892, %dma_wait3A_1051] : memref<8192x1024xf32, #tpu.memory_space<hbm>> -> memref<16x1024xf32, #tpu.memory_space<hbm>>
    %dma_wait3A_1053 = arith.constant 0 : i32
    %dma_wait3A_1054 = arith.constant 0 : i32
    %dma_wait3A_1055 = tpu.memref_slice %arg4[%dma_wait3A_1041, %dma_wait3A_1053, %dma_wait3A_1054] : memref<7x16x1024xf32, #tpu.memory_space<vmem>> -> memref<1x16x1024xf32, #tpu.memory_space<vmem>>
    %dma_wait3A_1056 = tpu.memref_squeeze %dma_wait3A_1055 : memref<1x16x1024xf32, #tpu.memory_space<vmem>> -> memref<16x1024xf32, #tpu.memory_space<vmem>>
    tpu.wait_dma2 semaphore(%dma_wait3A_1050 : memref<!tpu.dma_semaphore, #tpu.memory_space<semaphore_mem>>) src(%dma_wait3A_1056 : memref<16x1024xf32, #tpu.memory_space<vmem>>) dst(%dma_wait3A_1052 : memref<16x1024xf32, #tpu.memory_space<hbm>>)
    %dma_wait3A_1057 = arith.constant 0 : i32
    %dma_wait3A_1058 = arith.constant 0 : i32
    %dma_wait3A_1059 = arith.constant 0 : i32
    %dma_wait3A_1060 = arith.constant 0 : i32
    %dma_wait3A_1061 = tpu.memref_slice %arg4[%dma_wait3A_1057, %dma_wait3A_1059, %dma_wait3A_1060] : memref<7x16x1024xf32, #tpu.memory_space<vmem>> -> memref<1x16x1024xf32, #tpu.memory_space<vmem>>
    %dma_wait3A_1062 = tpu.memref_squeeze %dma_wait3A_1061 : memref<1x16x1024xf32, #tpu.memory_space<vmem>> -> memref<16x1024xf32, #tpu.memory_space<vmem>>
    %dma_wait3A_1063 = arith.constant 0 : i32
    %dma_wait3A_1064 = tpu.memref_slice %arg3[%add3A_926, %dma_wait3A_1063] : memref<8192x1024xf32, #tpu.memory_space<hbm>> -> memref<16x1024xf32, #tpu.memory_space<hbm>>
    %dma_wait3A_1065 = tpu.memref_slice %arg6[%dma_wait3A_1058] : memref<7x!tpu.dma_semaphore, #tpu.memory_space<semaphore_mem>> -> memref<1x!tpu.dma_semaphore, #tpu.memory_space<semaphore_mem>>
    %dma_wait3A_1066 = tpu.memref_squeeze %dma_wait3A_1065 : memref<1x!tpu.dma_semaphore, #tpu.memory_space<semaphore_mem>> -> memref<!tpu.dma_semaphore, #tpu.memory_space<semaphore_mem>>
    %dma_wait3A_1067 = arith.constant 0 : i32
    %dma_wait3A_1068 = tpu.memref_slice %arg3[%add3A_926, %dma_wait3A_1067] : memref<8192x1024xf32, #tpu.memory_space<hbm>> -> memref<16x1024xf32, #tpu.memory_space<hbm>>
    %dma_wait3A_1069 = arith.constant 0 : i32
    %dma_wait3A_1070 = arith.constant 0 : i32
    %dma_wait3A_1071 = tpu.memref_slice %arg4[%dma_wait3A_1057, %dma_wait3A_1069, %dma_wait3A_1070] : memref<7x16x1024xf32, #tpu.memory_space<vmem>> -> memref<1x16x1024xf32, #tpu.memory_space<vmem>>
    %dma_wait3A_1072 = tpu.memref_squeeze %dma_wait3A_1071 : memref<1x16x1024xf32, #tpu.memory_space<vmem>> -> memref<16x1024xf32, #tpu.memory_space<vmem>>
    tpu.wait_dma2 semaphore(%dma_wait3A_1066 : memref<!tpu.dma_semaphore, #tpu.memory_space<semaphore_mem>>) src(%dma_wait3A_1072 : memref<16x1024xf32, #tpu.memory_space<vmem>>) dst(%dma_wait3A_1068 : memref<16x1024xf32, #tpu.memory_space<hbm>>)
    %dma_wait3A_1073 = arith.constant 1 : i32
    %dma_wait3A_1074 = arith.constant 1 : i32
    %dma_wait3A_1075 = arith.constant 0 : i32
    %dma_wait3A_1076 = arith.constant 0 : i32
    %dma_wait3A_1077 = tpu.memref_slice %arg4[%dma_wait3A_1073, %dma_wait3A_1075, %dma_wait3A_1076] : memref<7x16x1024xf32, #tpu.memory_space<vmem>> -> memref<1x16x1024xf32, #tpu.memory_space<vmem>>
    %dma_wait3A_1078 = tpu.memref_squeeze %dma_wait3A_1077 : memref<1x16x1024xf32, #tpu.memory_space<vmem>> -> memref<16x1024xf32, #tpu.memory_space<vmem>>
    %dma_wait3A_1079 = arith.constant 0 : i32
    %dma_wait3A_1080 = tpu.memref_slice %arg3[%add3A_960, %dma_wait3A_1079] : memref<8192x1024xf32, #tpu.memory_space<hbm>> -> memref<16x1024xf32, #tpu.memory_space<hbm>>
    %dma_wait3A_1081 = tpu.memref_slice %arg6[%dma_wait3A_1074] : memref<7x!tpu.dma_semaphore, #tpu.memory_space<semaphore_mem>> -> memref<1x!tpu.dma_semaphore, #tpu.memory_space<semaphore_mem>>
    %dma_wait3A_1082 = tpu.memref_squeeze %dma_wait3A_1081 : memref<1x!tpu.dma_semaphore, #tpu.memory_space<semaphore_mem>> -> memref<!tpu.dma_semaphore, #tpu.memory_space<semaphore_mem>>
    %dma_wait3A_1083 = arith.constant 0 : i32
    %dma_wait3A_1084 = tpu.memref_slice %arg3[%add3A_960, %dma_wait3A_1083] : memref<8192x1024xf32, #tpu.memory_space<hbm>> -> memref<16x1024xf32, #tpu.memory_space<hbm>>
    %dma_wait3A_1085 = arith.constant 0 : i32
    %dma_wait3A_1086 = arith.constant 0 : i32
    %dma_wait3A_1087 = tpu.memref_slice %arg4[%dma_wait3A_1073, %dma_wait3A_1085, %dma_wait3A_1086] : memref<7x16x1024xf32, #tpu.memory_space<vmem>> -> memref<1x16x1024xf32, #tpu.memory_space<vmem>>
    %dma_wait3A_1088 = tpu.memref_squeeze %dma_wait3A_1087 : memref<1x16x1024xf32, #tpu.memory_space<vmem>> -> memref<16x1024xf32, #tpu.memory_space<vmem>>
    tpu.wait_dma2 semaphore(%dma_wait3A_1082 : memref<!tpu.dma_semaphore, #tpu.memory_space<semaphore_mem>>) src(%dma_wait3A_1088 : memref<16x1024xf32, #tpu.memory_space<vmem>>) dst(%dma_wait3A_1084 : memref<16x1024xf32, #tpu.memory_space<hbm>>)
    return
  }
}

</mosaic_0001>

<sc_bundles>
// kernel: kernel.3.cloned.1.call-start
scs
__scs_entry_jumppad:
0x0: {  	(pc) =	sbr.rel $0x88, $3  }
0x1: {  	(tag) =	ssettag $0x0;
	lr =	simm.s32 $0x1  }
0x2: {  	[smem:$0x3FA0] =	sst lr;
	_ =	strace $0xD0000000  }
0x3: {  	_ = 	snop  }
0x4: {  	_ = 	snop  }
0x5: {  	_ = 	snop  }
0x6: {  	_ = 	snop  }
0x7: {  	_ = 	snop  }
__scs_overlays_trampoline_lowered:
0x8: {  	[smem:$0x3FAF] =	sst s0  }
0x9: {  	[smem:$0x3FB0] =	sst s1  }
0xa: {  	[smem:$0x3FB1] =	sst s2  }
0xb: {  	[smem:$0x3FB2] =	sst s3  }
0xc: {  	[smem:$0x3FB3] =	sst s4  }
0xd: {  	[smem:$0x3FB4] =	sst s5  }
0xe: {  	[smem:$0x3FB5] =	sst s6  }
0xf: {  	[smem:$0x3FB6] =	sst s7  }
0x10: {  	[smem:$0x3FB7] =	sst s8  }
0x11: {  	[smem:$0x3FB8] =	sst s9;
	s0 =	simm.s32 @!p0 $0x0  }
0x12: {  	s1 =	sld [smem:$0x3F9E];
	s0 =	simm.s32 @p0 $0x1  }
0x13: {  	[smem:$0x3FB9] =	sst s0;
	s0 =	simm.s32 @!p1 $0x0  }
0x14: {  	s2 =	sld [smem:$0x3F9D];
	s0 =	simm.s32 @p1 $0x1  }
0x15: {  	[smem:$0x3FBA] =	sst s0;
	s0 =	simm.s32 @!p2 $0x0  }
0x16: {  	s3 =	sld [smem:$0x3FDB];
	s0 =	simm.s32 @p2 $0x1  }
0x17: {  	s4 =	simm.s32 $0x1BF5;
	[smem:$0x3FBC] =	sst s0  }
0x18: {  	s0 =	sld [smem:$0x3F9F];
	_ =	swait.ge [sflag:s4], $0x0  }
0x19: {  	s7 =	sld [smem:$0x3FA0]  }
0x1a: {  	s8 =	sadd.s32 $0xFFFFE003, lr  }
0x1b: {  	s9 =	sadd.s32 $0xFFFFFEF7, lr;
	s5 =	simm.s32 $0xFFFFFFFF;
	p2 =	slt.u32 s8, $0xFFFFF086  }
0x1c: {  	p1 =	slt.u32 s9, $0xF7A;
	s5 =	simm.s32 @!p2 $0x0  }
0x1d: {  	s5 =	simm.s32 @p1 $0x1;
	p0 =	seq.s32 s7, s2  }
0x1e: {  	s7 =	smul.u32 @!p0 $0xF7A, s2;
	p2 =	seq.s32 @!p0 s5, $0x0  }
0x1f: {  	s9 =	smul.u32 $0xF7A, s1;
	s8 =	simm.s32 @!p0 $0x1BF5;
	p2 =	por !p2, p0  }
0x20: {  	[sflag:s8] =	ssyncset.s32 @!p0 $0xFFFFF086;
	s6 =	sadd.s32 @!p0 s3, s7;
	s7 =	simm.s32 @!p0 $0x108  }
0x21: {  	s3 =	sadd.s32 s3, s9;
	s6 =	sadd.s32 @!p0 $0x88, s6;
	s7 =	simm.s32 @p2 $0x1082  }
0x22: {  	[simem:s7], [sflag:s8] =	dma.local @!p0 [hbm:s6], $0xF7A  }
0x23: {  	s9 =	sor.u32 $0xD0000000, s2;
	s6 =	simm.s32 $0x108;
	_ =	swait.ge @!p0 [sflag:s8], $0x0  }
0x24: {  	s3 =	sadd.s32 $0x88, s3;
	s6 =	simm.s32 @!p1 $0x1082;
	[sflag:s4] =	ssyncset.s32 $0xFFFFF086  }
0x25: {  	[simem:s6], [sflag:s4] =	dma.local [hbm:s3], $0xF7A  }
0x26: {  	[smem:$0x3FA0] =	sst s1;
	(tag) =	ssettag s2;
	_ =	strace s9  }
0x27: {  	s1 =	sld [smem:$0x3FB0]  }
0x28: {  	s2 =	sld [smem:$0x3FB1]  }
0x29: {  	s4 =	sld [smem:$0x3FB3]  }
0x2a: {  	p0 =	seq.s32 s5, $0x0;
	s5 =	sld [smem:$0x3FB4]  }
0x2b: {  	s6 =	sld [smem:$0x3FB5]  }
0x2c: {  	s7 =	sld [smem:$0x3FB6]  }
0x2d: {  	s3 =	simm.s32 $0x108;
	s8 =	sld [smem:$0x3FB7]  }
0x2e: {  	s3 =	simm.s32 @!p0 $0x1082;
	s9 =	sld [smem:$0x3FB8]  }
0x2f: {  	lr =	sadd.s32 s0, s3;
	s0 =	sld [smem:$0x3FAF]  }
0x30: {  	s3 =	sld [smem:$0x3FB2]  }
0x31: {  	[smem:$0x3FBB] =	sst s10  }
0x32: {  	s10 =	sld [smem:$0x3FB9];
	_ =	sdelay $0x3  }
0x33: {  	p0 =	seq.s32 s10, $0x1;
	s10 =	sld [smem:$0x3FBB];
	_ =	sdelay $0x3  }
0x34: {  	[smem:$0x3FBB] =	sst s10  }
0x35: {  	s10 =	sld [smem:$0x3FBA];
	_ =	sdelay $0x3  }
0x36: {  	p1 =	seq.s32 s10, $0x1;
	s10 =	sld [smem:$0x3FBB];
	_ =	sdelay $0x3  }
0x37: {  	[smem:$0x3FBB] =	sst s10  }
0x38: {  	s10 =	sld [smem:$0x3FBC]  }
0x39: {  	_ = 	snop;
	(pc) =	sbr.ind lr, $3  }
0x3a: {  	_ = 	snop  }
0x3b: {  	_ = 	snop  }
0x3c: {  	p2 =	seq.s32 s10, $0x1;
	s10 =	sld [smem:$0x3FBB]  }
0x3d: {  	_ =	shalt  }
0x3e: {  	_ =	shalt  }
0x3f: {  	_ =	shalt  }
0x40: {  	_ =	shalt  }
0x41: {  	_ =	shalt  }
0x42: {  	_ =	shalt  }
0x43: {  	_ =	shalt  }
0x44: {  	_ =	shalt  }
0x45: {  	_ =	shalt  }
0x46: {  	_ =	shalt  }
0x47: {  	_ =	shalt  }
0x48: {  	_ =	shalt  }
0x49: {  	_ =	shalt  }
0x4a: {  	_ =	shalt  }
0x4b: {  	_ =	shalt  }
0x4c: {  	_ =	shalt  }
0x4d: {  	_ =	shalt  }
0x4e: {  	_ =	shalt  }
0x4f: {  	_ =	shalt  }
0x50: {  	_ =	shalt  }
0x51: {  	_ =	shalt  }
0x52: {  	_ =	shalt  }
0x53: {  	_ =	shalt  }
0x54: {  	_ =	shalt  }
0x55: {  	_ =	shalt  }
0x56: {  	_ =	shalt  }
0x57: {  	_ =	shalt  }
0x58: {  	_ =	shalt  }
0x59: {  	_ =	shalt  }
0x5a: {  	_ =	shalt  }
0x5b: {  	_ =	shalt  }
0x5c: {  	_ =	shalt  }
0x5d: {  	_ =	shalt  }
0x5e: {  	_ =	shalt  }
0x5f: {  	_ =	shalt  }
0x60: {  	_ =	shalt  }
0x61: {  	_ =	shalt  }
0x62: {  	_ =	shalt  }
0x63: {  	_ =	shalt  }
0x64: {  	_ =	shalt  }
0x65: {  	_ =	shalt  }
0x66: {  	_ =	shalt  }
0x67: {  	_ =	shalt  }
0x68: {  	_ =	shalt  }
0x69: {  	_ =	shalt  }
0x6a: {  	_ =	shalt  }
0x6b: {  	_ =	shalt  }
0x6c: {  	_ =	shalt  }
0x6d: {  	_ =	shalt  }
0x6e: {  	_ =	shalt  }
0x6f: {  	_ =	shalt  }
0x70: {  	_ =	shalt  }
0x71: {  	_ =	shalt  }
0x72: {  	_ =	shalt  }
0x73: {  	_ =	shalt  }
0x74: {  	_ =	shalt  }
0x75: {  	_ =	shalt  }
0x76: {  	_ =	shalt  }
0x77: {  	_ =	shalt  }
0x78: {  	_ =	shalt  }
0x79: {  	_ =	shalt  }
0x7a: {  	_ =	shalt  }
0x7b: {  	_ =	shalt  }
0x7c: {  	_ =	shalt  }
0x7d: {  	_ =	shalt  }
0x7e: {  	_ =	shalt  }
0x7f: {  	_ =	shalt  }
0x80: {  	_ =	shalt  }
0x81: {  	_ =	shalt  }
0x82: {  	_ =	shalt  }
0x83: {  	_ =	shalt  }
0x84: {  	_ =	shalt  }
0x85: {  	_ =	shalt  }
0x86: {  	_ =	shalt  }
0x87: {  	_ =	shalt  }
.Lfunc_end0:
.L_simem_size_0:
called_computation_lowered:
.L_overlay_start_0:
0x88: {  	s2 =	sld [smem:$0x3FD9]  }
0x89: {  	s3 =	sld [smem:$0x3FFE];
	_ =	sdelay $0x1  }
0x8a: {  	s1 =	srdreg.scid  }
0x8b: {  	s0 =	sand.u32 $0x1, s1  }
0x8c: {  	s18 =	sshll.u32 s0, $0xA;
	s2 =	sadd.s32 s3, s2  }
0x8d: {  	s2 =	sadd.s32 s2, s18  }
0x8e: {  	[smem:$0x3FC7] =	sst s2  }
0x8f: {  	_ = 	snop  }
0x90: {  	s2 =	sld [smem:$0x3FC9]  }
0x91: {  	s19 =	sld [smem:$0x3FD0];
	(tm) =	ssettm $0x1  }
0x92: {  	s4 =	sld [smem:$0x3FFB];
	_ =	sdelay $0x3  }
0x93: {  	_ =	strace s4  }
0x94: {  	s4 =	sld [smem:$0x3FFC];
	_ =	sdelay $0x3  }
0x95: {  	_ =	strace s4  }
0x96: {  	s4 =	sld [smem:$0x3FFD];
	_ =	sdelay $0x3  }
0x97: {  	_ =	strace s4  }
0x98: {  	_ =	strace $0x8FFFFFFF  }
0x99: {  	s20 =	sld [smem:$0x3FDB];
	_ =	sdelay $0x1  }
0x9a: {  	s5 =	simm.s32 $_scs_section_size  }
0x9b: {  	s6 =	simm.s32 $_size__tile_overlayer_lowered;
	s7 =	simm.s32 $_tile_overlayer_lowered  }
0x9c: {  	s23 =	simm.s32 $0x1BFF;
	s22 =	sshll.u32 s7, $0x1;
	s4 =	sadd.s32 s5, s20  }
0x9d: {  	s8 =	simm.s32 $0x0;
	s21 =	sshll.u32 s6, $0x1;
	s6 =	sadd.s32 s22, s4  }
0x9e: {  	[timem:s8], [sflag:s23] =	dma.local [hbm:s6], s21  }
0x9f: {  	_ =	swait.ge [sflag:s23], s21  }
0xa0: {  	s5 =	ssub.s32 $0x0, s21;
	[sflag:s23] =	ssyncset.done $0x0  }
0xa1: {  	[sflag:s23] =	ssyncadd.s32 s5;
	_ =	sdelay $0x1  }
0xa2: {  	s24 =	simm.s32 $0x1B8B  }
0xa3: {  	_ =	swait.ge [sflag:s24], $0x1  }
0xa4: {  	[sflag:s24] =	ssyncset.done $0x0  }
0xa5: {  	s25 =	simm.s32 $0x1B8E;
	[sflag:s24] =	ssyncadd.s32 $0xFFFFFFFF  }
0xa6: {  	s26 =	simm.s32 $execute0_lowered;
	[smem:$0x3FD2] =	sst s25  }
0xa7: {  	s5 =	sshll.u32 s26, $0x1;
	_ =	strace $0x80000046;
	[dreg:$0x1] =	wrdreg $0xFFFFFFFF  }
0xa8: {  	s28 =	simm.s32 $_size_execute0_lowered;
	s4 =	sadd.s32 s4, s5;
	[dreg:$0x0] =	wrdreg $0x0  }
0xa9: {  	s5 =	sshll.u32 s28, $0x1;
	[dreg:$0x2] =	wrdreg s4  }
0xaa: {  	[dreg:$0x3] =	wrdreg s5  }
0xab: {  	[dreg:$0x4] =	wrdreg $0xC0  }
0xac: {  	_ =	task [dreg:s8], $0x5FFFF  }
0xad: {  	[dreg:$0x1] =	wrdreg $0xFFFFFFFF  }
0xae: {  	[dreg:$0x0] =	wrdreg $0x60  }
0xaf: {  	[dreg:$0x2] =	wrdreg s2  }
0xb0: {  	[dreg:$0x3] =	wrdreg s19  }
0xb1: {  	[dreg:$0x4] =	wrdreg $0x9  }
0xb2: {  	_ =	task.clear_ibuf [dreg:s8], $0x5FFFF;
	_ =	strace $0x90000046  }
0xb3: {  	s29 =	simm.s32 $0x9;
	_ =	strace $0x80000048  }
0xb4: {  	_ =	swait.ge [sflag:s29], $0x1  }
0xb5: {  	[sflag:s29] =	ssyncadd.s32 $0xFFFFFFFF  }
0xb6: {  	_ =	strace $0x90000048  }
0xb7: {  	_ =	sfence  }
0xb8: {  	s30 =	sld [smem:$0x0];
	_ =	sdelay $0x2  }
0xb9: {  	s31 =	sshll.u32 s1, $0xD;
	s1 =	sshrl.u32 s1, $0x2  }
0xba: {  	s3 =	sand.u32 $0x4000, s31;
	s1 =	sadd.s32 s1, s30  }
0xbb: {  	s0 =	sor.u32 s3, s0;
	s1 =	sshll.u32 s1, $0x11  }
0xbc: {  	s0 =	sor.u32 s1, s0  }
0xbd: {  	s0 =	sadd.s32 $0x8F2B, s0  }
0xbe: {  	[sflag:s0] =	ssyncadd.remote.s32 $0x1  }
0xbf: {  	_ =	sfence.sel $0xFFFF  }
0xc0: {  	[dreg:$0x0] =	wrdreg $0xFFFFFFFF;
	(pc) =	sbr.abs _section_cstart, $3  }
0xc1: {  	[dreg:$0x1] =	wrdreg $0xFFFFFFFF  }
0xc2: {  	_ =	task.clear_ibuf [dreg:s8], $0x2FFFF;
	_ =	strace $0x9FFFFFFF  }
0xc3: {  	(tm) =	ssettm $0x7FFFFFFF  }
tec
execute0_lowered:
.L_overlay_start_1:
0x0: {  	(tag) =	ssettag $0x1  }
0x1: {  	s3 =	rddreg [dreg:$0x0]  }
0x2: {  	s0 =	rddreg [dreg:$0x1];
	s1 =	srdreg.scid  }
0x3: {  	s4 =	stileid.u32;
	s2 =	simm.s32 $0x0;
	s1 =	sand.u32 $0x1, s1  }
0x4: {  	s31 =	simm.s32 $0x3;
	s4 =	sshll.u32 s4, $0x10;
	s5 =	sshll.u32 s1, $0xF  }
0x5: {  	s30 =	simm.s32 $0x4;
	[smem:$0x7FF] =	sst s2;
	s4 =	sor.u32 s5, s4  }
0x6: {  	s28 =	simm.s32 $0x5;
	_ =	strace $0x80000047;
	s5 =	sadd.s32 s3, s4  }
0x7: {  	s6 =	sor.u32 $0x800, s4;
	s18 =	sadd.s32 s0, s4;
	[dreg:$0x3] =	wrdreg s5  }
0x8: {  	s7 =	sor.u32 $0x1000, s4;
	s12 =	sadd.s32 s3, s6;
	[dreg:$0xa] =	wrdreg s18  }
0x9: {  	s8 =	sor.u32 $0x1800, s4;
	s13 =	sadd.s32 s3, s7;
	[dreg:$0x4] =	wrdreg s12  }
0xa: {  	s9 =	sor.u32 $0x2000, s4;
	s14 =	sadd.s32 s3, s8;
	[dreg:$0x5] =	wrdreg s13  }
0xb: {  	s10 =	sor.u32 $0x2800, s4;
	s15 =	sadd.s32 s3, s9;
	[dreg:$0x6] =	wrdreg s14  }
0xc: {  	s11 =	sor.u32 $0x3000, s4;
	s16 =	sadd.s32 s3, s10;
	[dreg:$0x7] =	wrdreg s15  }
0xd: {  	p0 =	por $0x0, $0x0;
	s17 =	sadd.s32 s3, s11;
	[dreg:$0x8] =	wrdreg s16  }
0xe: {  	s20 =	sor.u32 $0x3800, s4;
	s19 =	sadd.s32 s0, s6;
	[dreg:$0x9] =	wrdreg s17  }
0xf: {  	s29 =	simm.s32 $0x6;
	s21 =	sadd.s32 s3, s20;
	[dreg:$0xb] =	wrdreg s19  }
0x10: {  	s1 =	ssub.s32 $0x2, s1;
	s22 =	sadd.s32 s0, s7;
	[dreg:$0xc] =	wrdreg s21  }
0x11: {  	s23 =	sor.u32 $0x4000, s4;
	s25 =	sadd.s32 s0, s9;
	[dreg:$0xd] =	wrdreg s22  }
0x12: {  	s26 =	sor.u32 $0x5000, s4;
	s20 =	sadd.s32 s0, s20;
	[dreg:$0x11] =	wrdreg s25  }
0x13: {  	s18 =	sor.u32 $0x4800, s4;
	s16 =	sadd.s32 s3, s23;
	[dreg:$0x17] =	wrdreg s20  }
0x14: {  	s6 =	simm.s32 $0x4000;
	s17 =	sadd.s32 s0, s8;
	[dreg:$0xe] =	wrdreg s16  }
0x15: {  	s24 =	sadd.s32 s3, s18;
	s12 =	sadd.s32 s3, s26;
	[dreg:$0xf] =	wrdreg s17  }
0x16: {  	s13 =	sadd.s32 s0, s10;
	s14 =	sor.u32 $0x5800, s4;
	[dreg:$0x10] =	wrdreg s24  }
0x17: {  	s21 =	sor.u32 $0x6800, s4;
	s23 =	sadd.s32 s0, s23;
	[dreg:$0x12] =	wrdreg s12  }
0x18: {  	s10 =	simm.s32 $0xE;
	[dreg:$0x13] =	wrdreg s13;
	s15 =	sadd.s32 s3, s14  }
0x19: {  	s16 =	sadd.s32 s0, s11;
	s17 =	sor.u32 $0x6000, s4;
	s22 =	sadd.s32 s3, s21  }
0x1a: {  	s24 =	sor.u32 $0x7000, s4;
	s12 =	sshrl.u32 s1, $0x1;
	[dreg:$0x19] =	wrdreg s23  }
0x1b: {  	s4 =	sor.u32 $0x7800, s4;
	s14 =	sadd.s32 s0, s14;
	s8 =	sadd.s32 s0, s21  }
0x1c: {  	s23 =	simm.s32 $0x10000;
	s21 =	simm.s32 $0x14000;
	[dreg:$0x14] =	wrdreg s15  }
0x1d: {  	s11 =	simm.s32 $0x2;
	s13 =	simm.s32 $0xD;
	[dreg:$0x15] =	wrdreg s16  }
0x1e: {  	s19 =	sadd.s32 s3, s17;
	[dreg:$0x18] =	wrdreg s22;
	s25 =	sadd.s32 s3, s24  }
0x1f: {  	s1 =	ssub.s32 s1, s12;
	s22 =	sadd.s32 s0, s18;
	s20 =	sadd.s32 s3, s4  }
0x20: {  	s18 =	sadd.s32 s0, s26;
	s9 =	sadd.s32 s0, s17;
	s26 =	smax.u32 s1, $0x1  }
0x21: {  	s7 =	sadd.s32 s0, s24;
	s5 =	sadd.s32 s0, s4;
	p1 =	sne.s32 s26, $0x1  }
.Ltmp0:
0x22: {  	s24 =	simm.s32 $0xC000;
	s16 =	simm.s32 $0x1;
	(pc) =	sbr.rel @!p1 .LBB2_3-.Ltmp0, $4  }
0x23: {  	s4 =	simm.s32 $0x8;
	s3 =	simm.s32 $0x9;
	s12 =	simm.s32 $0xA  }
0x24: {  	s17 =	simm.s32 $0xB;
	s15 =	simm.s32 $0xC;
	[dreg:$0x16] =	wrdreg s19  }
0x25: {  	[dreg:$0x1a] =	wrdreg s25;
	s25 =	simm.s32 $0x8000;
	s19 =	simm.s32 $0x18000  }
0x26: {  	s1 =	rddreg [dreg:$0x3];
	s0 =	sadd.s32 $0xFFFFFFFF, s26;
	s26 =	simm.s32 $0x7  }
0x27: {  	[dreg:$0x1b] =	wrdreg s0  }
0x28: {  	[tilespmem:s2], [sflag:$0x1] =	stream.linear.gather [hbm4b:s1+s2], $0x4000, $0x38;
	[tilespmem:$0x1C000] =	vst v63  }
0x29: {  	s0 =	rddreg [dreg:$0x4]  }
0x2a: {  	[tilespmem:s6], [sflag:$0x2] =	stream.linear.gather [hbm4b:s0+s2], $0x4000, $0x38;
	[tilespmem:$0x1C000] =	vst v63  }
0x2b: {  	s1 =	rddreg [dreg:$0x5]  }
0x2c: {  	[tilespmem:s25], [sflag:$0x3] =	stream.linear.gather [hbm4b:s1+s2], $0x4000, $0x38;
	[tilespmem:$0x1C000] =	vst v63  }
0x2d: {  	s0 =	rddreg [dreg:$0x6]  }
0x2e: {  	[tilespmem:s24], [sflag:$0x4] =	stream.linear.gather [hbm4b:s0+s2], $0x4000, $0x38;
	[tilespmem:$0x1C000] =	vst v63  }
0x2f: {  	s1 =	rddreg [dreg:$0x7]  }
0x30: {  	[tilespmem:s23], [sflag:$0x5] =	stream.linear.gather [hbm4b:s1+s2], $0x4000, $0x38;
	[tilespmem:$0x1C000] =	vst v63  }
0x31: {  	s0 =	rddreg [dreg:$0x8]  }
0x32: {  	[tilespmem:s21], [sflag:$0x6] =	stream.linear.gather [hbm4b:s0+s2], $0x4000, $0x38;
	[tilespmem:$0x1C000] =	vst v63  }
0x33: {  	s1 =	rddreg [dreg:$0x9]  }
0x34: {  	[tilespmem:s19], [sflag:$0x7] =	stream.linear.gather [hbm4b:s1+s2], $0x4000, $0x38;
	[tilespmem:$0x1C000] =	vst v63  }
0x35: {  	_ =	swait.ge [sflag:s16], $0x4000  }
0x36: {  	[sflag:s16] =	ssyncset.done $0x0  }
0x37: {  	s1 =	rddreg [dreg:$0xa];
	[sflag:s16] =	ssyncadd.s32 $0xFFFFC000  }
0x38: {  	[hbm4b:s1+s2] =	stream.linear.scatter [tilespmem:s2], [sflag:$0x8], $0x4000, $0x38;
	[tilespmem:$0x1C000] =	vst v63  }
0x39: {  	_ =	swait.ge [sflag:s11], $0x4000  }
0x3a: {  	[sflag:s11] =	ssyncset.done $0x0  }
0x3b: {  	s1 =	rddreg [dreg:$0xb];
	[sflag:s11] =	ssyncadd.s32 $0xFFFFC000  }
0x3c: {  	[hbm4b:s1+s2] =	stream.linear.scatter [tilespmem:s6], [sflag:$0x9], $0x4000, $0x38;
	[tilespmem:$0x1C000] =	vst v63  }
0x3d: {  	_ =	swait.ge [sflag:s4], $0x4000  }
0x3e: {  	[sflag:s4] =	ssyncset.done $0x0  }
0x3f: {  	s1 =	rddreg [dreg:$0xc];
	[sflag:s4] =	ssyncadd.s32 $0xFFFFC000  }
0x40: {  	[tilespmem:s2], [sflag:$0x1] =	stream.linear.gather [hbm4b:s1+s2], $0x4000, $0x38;
	[tilespmem:$0x1C000] =	vst v63  }
0x41: {  	_ =	swait.ge [sflag:s31], $0x4000  }
0x42: {  	[sflag:s31] =	ssyncset.done $0x0  }
0x43: {  	s1 =	rddreg [dreg:$0xd];
	[sflag:s31] =	ssyncadd.s32 $0xFFFFC000  }
0x44: {  	[hbm4b:s1+s2] =	stream.linear.scatter [tilespmem:s25], [sflag:$0xA], $0x4000, $0x38;
	[tilespmem:$0x1C000] =	vst v63  }
0x45: {  	_ =	swait.ge [sflag:s3], $0x4000  }
0x46: {  	[sflag:s3] =	ssyncset.done $0x0  }
0x47: {  	s1 =	rddreg [dreg:$0xe];
	[sflag:s3] =	ssyncadd.s32 $0xFFFFC000  }
0x48: {  	[tilespmem:s6], [sflag:$0x2] =	stream.linear.gather [hbm4b:s1+s2], $0x4000, $0x38;
	[tilespmem:$0x1C000] =	vst v63  }
0x49: {  	_ =	swait.ge [sflag:s30], $0x4000  }
0x4a: {  	[sflag:s30] =	ssyncset.done $0x0  }
0x4b: {  	s1 =	rddreg [dreg:$0xf];
	[sflag:s30] =	ssyncadd.s32 $0xFFFFC000  }
0x4c: {  	[hbm4b:s1+s2] =	stream.linear.scatter [tilespmem:s24], [sflag:$0xB], $0x4000, $0x38;
	[tilespmem:$0x1C000] =	vst v63  }
0x4d: {  	_ =	swait.ge [sflag:s12], $0x4000  }
0x4e: {  	[sflag:s12] =	ssyncset.done $0x0  }
0x4f: {  	s1 =	rddreg [dreg:$0x10];
	[sflag:s12] =	ssyncadd.s32 $0xFFFFC000  }
0x50: {  	[tilespmem:s25], [sflag:$0x3] =	stream.linear.gather [hbm4b:s1+s2], $0x4000, $0x38;
	[tilespmem:$0x1C000] =	vst v63  }
0x51: {  	_ =	swait.ge [sflag:s28], $0x4000  }
0x52: {  	[sflag:s28] =	ssyncset.done $0x0  }
0x53: {  	s1 =	rddreg [dreg:$0x11];
	[sflag:s28] =	ssyncadd.s32 $0xFFFFC000  }
0x54: {  	[hbm4b:s1+s2] =	stream.linear.scatter [tilespmem:s23], [sflag:$0xC], $0x4000, $0x38;
	[tilespmem:$0x1C000] =	vst v63  }
0x55: {  	_ =	swait.ge [sflag:s17], $0x4000  }
0x56: {  	[sflag:s17] =	ssyncset.done $0x0  }
0x57: {  	s1 =	rddreg [dreg:$0x12];
	[sflag:s17] =	ssyncadd.s32 $0xFFFFC000  }
0x58: {  	[tilespmem:s24], [sflag:$0x4] =	stream.linear.gather [hbm4b:s1+s2], $0x4000, $0x38;
	[tilespmem:$0x1C000] =	vst v63  }
0x59: {  	_ =	swait.ge [sflag:s29], $0x4000  }
0x5a: {  	[sflag:s29] =	ssyncset.done $0x0  }
0x5b: {  	s1 =	rddreg [dreg:$0x13];
	[sflag:s29] =	ssyncadd.s32 $0xFFFFC000  }
0x5c: {  	[hbm4b:s1+s2] =	stream.linear.scatter [tilespmem:s21], [sflag:$0xD], $0x4000, $0x38;
	[tilespmem:$0x1C000] =	vst v63  }
0x5d: {  	_ =	swait.ge [sflag:s15], $0x4000  }
0x5e: {  	[sflag:s15] =	ssyncset.done $0x0  }
0x5f: {  	s1 =	rddreg [dreg:$0x14];
	[sflag:s15] =	ssyncadd.s32 $0xFFFFC000  }
0x60: {  	[tilespmem:s23], [sflag:$0x5] =	stream.linear.gather [hbm4b:s1+s2], $0x4000, $0x38;
	[tilespmem:$0x1C000] =	vst v63  }
0x61: {  	_ =	swait.ge [sflag:s26], $0x4000  }
0x62: {  	[sflag:s26] =	ssyncset.done $0x0  }
0x63: {  	s1 =	rddreg [dreg:$0x15];
	[sflag:s26] =	ssyncadd.s32 $0xFFFFC000  }
0x64: {  	[hbm4b:s1+s2] =	stream.linear.scatter [tilespmem:s19], [sflag:$0xE], $0x4000, $0x38;
	[tilespmem:$0x1C000] =	vst v63  }
0x65: {  	_ =	swait.ge [sflag:s13], $0x4000  }
0x66: {  	[sflag:s13] =	ssyncset.done $0x0  }
0x67: {  	s1 =	rddreg [dreg:$0x16];
	[sflag:s13] =	ssyncadd.s32 $0xFFFFC000  }
0x68: {  	[tilespmem:s21], [sflag:$0x6] =	stream.linear.gather [hbm4b:s1+s2], $0x4000, $0x38;
	[tilespmem:$0x1C000] =	vst v63  }
0x69: {  	_ =	swait.ge [sflag:s16], $0x4000  }
0x6a: {  	[sflag:s16] =	ssyncset.done $0x0  }
0x6b: {  	s1 =	rddreg [dreg:$0x17];
	[sflag:s16] =	ssyncadd.s32 $0xFFFFC000  }
0x6c: {  	[hbm4b:s1+s2] =	stream.linear.scatter [tilespmem:s2], [sflag:$0x8], $0x4000, $0x38;
	[tilespmem:$0x1C000] =	vst v63  }
0x6d: {  	_ =	swait.ge [sflag:s10], $0x4000  }
0x6e: {  	[sflag:s10] =	ssyncset.done $0x0  }
0x6f: {  	s1 =	rddreg [dreg:$0x18];
	[sflag:s10] =	ssyncadd.s32 $0xFFFFC000  }
0x70: {  	[tilespmem:s19], [sflag:$0x7] =	stream.linear.gather [hbm4b:s1+s2], $0x4000, $0x38;
	[tilespmem:$0x1C000] =	vst v63  }
0x71: {  	_ =	swait.ge [sflag:s11], $0x4000  }
0x72: {  	[sflag:s11] =	ssyncset.done $0x0  }
0x73: {  	s1 =	rddreg [dreg:$0x19];
	[sflag:s11] =	ssyncadd.s32 $0xFFFFC000  }
0x74: {  	[hbm4b:s1+s2] =	stream.linear.scatter [tilespmem:s6], [sflag:$0x9], $0x4000, $0x38;
	[tilespmem:$0x1C000] =	vst v63  }
0x75: {  	_ =	swait.ge [sflag:s4], $0x4000  }
0x76: {  	[sflag:s4] =	ssyncset.done $0x0  }
0x77: {  	s1 =	rddreg [dreg:$0x1a];
	[sflag:s4] =	ssyncadd.s32 $0xFFFFC000  }
0x78: {  	[tilespmem:s2], [sflag:$0x1] =	stream.linear.gather [hbm4b:s1+s2], $0x4000, $0x38;
	[tilespmem:$0x1C000] =	vst v63  }
0x79: {  	_ =	swait.ge [sflag:s31], $0x4000  }
0x7a: {  	[sflag:s31] =	ssyncset.done $0x0  }
0x7b: {  	[sflag:s31] =	ssyncadd.s32 $0xFFFFC000  }
0x7c: {  	[hbm4b:s22+s2] =	stream.linear.scatter [tilespmem:s25], [sflag:$0xA], $0x4000, $0x38;
	[tilespmem:$0x1C000] =	vst v63  }
0x7d: {  	_ =	swait.ge [sflag:s3], $0x4000  }
0x7e: {  	[sflag:s3] =	ssyncset.done $0x0  }
0x7f: {  	[sflag:s3] =	ssyncadd.s32 $0xFFFFC000  }
0x80: {  	[tilespmem:s6], [sflag:$0x2] =	stream.linear.gather [hbm4b:s20+s2], $0x4000, $0x38;
	[tilespmem:$0x1C000] =	vst v63  }
0x81: {  	_ =	swait.ge [sflag:s30], $0x4000  }
0x82: {  	[sflag:s30] =	ssyncset.done $0x0  }
0x83: {  	[sflag:s30] =	ssyncadd.s32 $0xFFFFC000  }
0x84: {  	[hbm4b:s18+s2] =	stream.linear.scatter [tilespmem:s24], [sflag:$0xB], $0x4000, $0x38;
	[tilespmem:$0x1C000] =	vst v63  }
0x85: {  	_ =	swait.ge [sflag:s28], $0x4000  }
0x86: {  	[sflag:s28] =	ssyncset.done $0x0  }
0x87: {  	[sflag:s28] =	ssyncadd.s32 $0xFFFFC000  }
0x88: {  	[hbm4b:s14+s2] =	stream.linear.scatter [tilespmem:s23], [sflag:$0xC], $0x4000, $0x38;
	[tilespmem:$0x1C000] =	vst v63  }
0x89: {  	_ =	swait.ge [sflag:s29], $0x4000  }
0x8a: {  	[sflag:s29] =	ssyncset.done $0x0  }
0x8b: {  	[sflag:s29] =	ssyncadd.s32 $0xFFFFC000  }
0x8c: {  	[hbm4b:s9+s2] =	stream.linear.scatter [tilespmem:s21], [sflag:$0xD], $0x4000, $0x38;
	[tilespmem:$0x1C000] =	vst v63  }
0x8d: {  	_ =	swait.ge [sflag:s26], $0x4000  }
0x8e: {  	[sflag:s26] =	ssyncset.done $0x0  }
0x8f: {  	[sflag:s26] =	ssyncadd.s32 $0xFFFFC000  }
0x90: {  	[hbm4b:s8+s2] =	stream.linear.scatter [tilespmem:s19], [sflag:$0xE], $0x4000, $0x38;
	[tilespmem:$0x1C000] =	vst v63  }
0x91: {  	_ =	swait.ge [sflag:s16], $0x4000  }
0x92: {  	[sflag:s16] =	ssyncset.done $0x0  }
0x93: {  	[sflag:s16] =	ssyncadd.s32 $0xFFFFC000  }
0x94: {  	[hbm4b:s7+s2] =	stream.linear.scatter [tilespmem:s2], [sflag:$0x8], $0x4000, $0x38;
	[tilespmem:$0x1C000] =	vst v63  }
0x95: {  	_ =	swait.ge [sflag:s11], $0x4000  }
0x96: {  	[sflag:s11] =	ssyncset.done $0x0  }
0x97: {  	[sflag:s11] =	ssyncadd.s32 $0xFFFFC000  }
0x98: {  	[hbm4b:s5+s2] =	stream.linear.scatter [tilespmem:s6], [sflag:$0x9], $0x4000, $0x38;
	[tilespmem:$0x1C000] =	vst v63  }
0x99: {  	_ =	swait.ge [sflag:s12], $0x4000  }
0x9a: {  	[sflag:s12] =	ssyncset.done $0x0  }
0x9b: {  	[sflag:s12] =	ssyncadd.s32 $0xFFFFC000  }
0x9c: {  	_ =	swait.ge [sflag:s17], $0x4000  }
0x9d: {  	[sflag:s17] =	ssyncset.done $0x0  }
0x9e: {  	[sflag:s17] =	ssyncadd.s32 $0xFFFFC000  }
0x9f: {  	_ =	swait.ge [sflag:s15], $0x4000  }
0xa0: {  	[sflag:s15] =	ssyncset.done $0x0  }
0xa1: {  	[sflag:s15] =	ssyncadd.s32 $0xFFFFC000  }
0xa2: {  	_ =	swait.ge [sflag:s13], $0x4000  }
0xa3: {  	[sflag:s13] =	ssyncset.done $0x0  }
0xa4: {  	[sflag:s13] =	ssyncadd.s32 $0xFFFFC000  }
0xa5: {  	_ =	swait.ge [sflag:s10], $0x4000  }
0xa6: {  	[sflag:s10] =	ssyncset.done $0x0  }
0xa7: {  	[sflag:s10] =	ssyncadd.s32 $0xFFFFC000  }
0xa8: {  	_ =	swait.ge [sflag:s4], $0x4000  }
0xa9: {  	s1 =	rddreg [dreg:$0x1b]  }
0xaa: {  	p1 =	sne.s32 s1, $0x1  }
.Ltmp1:
0xab: {  	_ = 	snop;
	(pc) =	sbr.rel @!p1 .LBB2_3-.Ltmp1, $4  }
0xac: {  	[sflag:s4] =	ssyncset.done $0x0  }
0xad: {  	[sflag:s4] =	ssyncadd.s32 $0xFFFFC000  }
0xae: {  	p0 =	por $0x1, $0x1;
	_ =	swait.ge [sflag:s3], $0x4000  }
0xaf: {  	s0 =	sadd.s32 $0xFFFFFFFF, s1;
	s1 =	rddreg [dreg:$0x3];
	[sflag:s3] =	ssyncset.done $0x0  }
.LBB2_2:
0xb0: {  	[sflag:s3] =	ssyncadd.s32 $0xFFFFC000  }
0xb1: {  	s19 =	smov.u32 s22;
	s22 =	smov.u32 s20;
	s20 =	smov.u32 s18  }
0xb2: {  	s18 =	smov.u32 s14;
	s14 =	smov.u32 s9;
	s9 =	smov.u32 s8  }
0xb3: {  	s8 =	smov.u32 s7;
	s7 =	smov.u32 s5;
	s5 =	rddreg [dreg:$0x4]  }
0xb4: {  	[tilespmem:s2], [sflag:$0x1] =	stream.linear.gather [hbm4b:s1+s2], $0x4000, $0x38;
	[tilespmem:$0x1C000] =	vst v63  }
0xb5: {  	s1 =	rddreg [dreg:$0x5]  }
0xb6: {  	[tilespmem:s6], [sflag:$0x2] =	stream.linear.gather [hbm4b:s5+s2], $0x4000, $0x38;
	[tilespmem:$0x1C000] =	vst v63  }
0xb7: {  	s5 =	rddreg [dreg:$0x6]  }
0xb8: {  	[tilespmem:s25], [sflag:$0x3] =	stream.linear.gather [hbm4b:s1+s2], $0x4000, $0x38;
	[tilespmem:$0x1C000] =	vst v63  }
0xb9: {  	s1 =	rddreg [dreg:$0x7]  }
0xba: {  	[tilespmem:s24], [sflag:$0x4] =	stream.linear.gather [hbm4b:s5+s2], $0x4000, $0x38;
	[tilespmem:$0x1C000] =	vst v63  }
0xbb: {  	s5 =	rddreg [dreg:$0x8]  }
0xbc: {  	[tilespmem:s23], [sflag:$0x5] =	stream.linear.gather [hbm4b:s1+s2], $0x4000, $0x38;
	[tilespmem:$0x1C000] =	vst v63  }
0xbd: {  	s1 =	rddreg [dreg:$0x9]  }
0xbe: {  	[tilespmem:s21], [sflag:$0x6] =	stream.linear.gather [hbm4b:s5+s2], $0x4000, $0x38;
	[tilespmem:$0x1C000] =	vst v63  }
0xbf: {  	s5 =	smov.u32 s7;
	s7 =	smov.u32 s8;
	s8 =	smov.u32 s9  }
0xc0: {  	s9 =	smov.u32 s14;
	s14 =	smov.u32 s18;
	s18 =	smov.u32 s20  }
0xc1: {  	s20 =	smov.u32 s22;
	s22 =	smov.u32 s19;
	s19 =	simm.s32 $0x18000  }
0xc2: {  	[tilespmem:s19], [sflag:$0x7] =	stream.linear.gather [hbm4b:s1+s2], $0x4000, $0x38;
	[tilespmem:$0x1C000] =	vst v63  }
0xc3: {  	_ =	swait.ge [sflag:s16], $0x4000  }
0xc4: {  	[sflag:s16] =	ssyncset.done $0x0  }
0xc5: {  	s1 =	rddreg [dreg:$0xa];
	[sflag:s16] =	ssyncadd.s32 $0xFFFFC000  }
0xc6: {  	[hbm4b:s1+s2] =	stream.linear.scatter [tilespmem:s2], [sflag:$0x8], $0x4000, $0x38;
	[tilespmem:$0x1C000] =	vst v63  }
0xc7: {  	_ =	swait.ge [sflag:s11], $0x4000  }
0xc8: {  	[sflag:s11] =	ssyncset.done $0x0  }
0xc9: {  	s1 =	rddreg [dreg:$0xb];
	[sflag:s11] =	ssyncadd.s32 $0xFFFFC000  }
0xca: {  	[hbm4b:s1+s2] =	stream.linear.scatter [tilespmem:s6], [sflag:$0x9], $0x4000, $0x38;
	[tilespmem:$0x1C000] =	vst v63  }
0xcb: {  	_ =	swait.ge [sflag:s4], $0x4000  }
0xcc: {  	[sflag:s4] =	ssyncset.done $0x0  }
0xcd: {  	s1 =	rddreg [dreg:$0xc];
	[sflag:s4] =	ssyncadd.s32 $0xFFFFC000  }
0xce: {  	[tilespmem:s2], [sflag:$0x1] =	stream.linear.gather [hbm4b:s1+s2], $0x4000, $0x38;
	[tilespmem:$0x1C000] =	vst v63  }
0xcf: {  	_ =	swait.ge [sflag:s31], $0x4000  }
0xd0: {  	[sflag:s31] =	ssyncset.done $0x0  }
0xd1: {  	s1 =	rddreg [dreg:$0xd];
	[sflag:s31] =	ssyncadd.s32 $0xFFFFC000  }
0xd2: {  	[hbm4b:s1+s2] =	stream.linear.scatter [tilespmem:s25], [sflag:$0xA], $0x4000, $0x38;
	[tilespmem:$0x1C000] =	vst v63  }
0xd3: {  	_ =	swait.ge [sflag:s3], $0x4000  }
0xd4: {  	[sflag:s3] =	ssyncset.done $0x0  }
0xd5: {  	s1 =	rddreg [dreg:$0xe];
	[sflag:s3] =	ssyncadd.s32 $0xFFFFC000  }
0xd6: {  	[tilespmem:s6], [sflag:$0x2] =	stream.linear.gather [hbm4b:s1+s2], $0x4000, $0x38;
	[tilespmem:$0x1C000] =	vst v63  }
0xd7: {  	_ =	swait.ge [sflag:s30], $0x4000  }
0xd8: {  	[sflag:s30] =	ssyncset.done $0x0  }
0xd9: {  	s1 =	rddreg [dreg:$0xf];
	[sflag:s30] =	ssyncadd.s32 $0xFFFFC000  }
0xda: {  	[hbm4b:s1+s2] =	stream.linear.scatter [tilespmem:s24], [sflag:$0xB], $0x4000, $0x38;
	[tilespmem:$0x1C000] =	vst v63  }
0xdb: {  	_ =	swait.ge [sflag:s12], $0x4000  }
0xdc: {  	[sflag:s12] =	ssyncset.done $0x0  }
0xdd: {  	s1 =	rddreg [dreg:$0x10];
	[sflag:s12] =	ssyncadd.s32 $0xFFFFC000  }
0xde: {  	[tilespmem:s25], [sflag:$0x3] =	stream.linear.gather [hbm4b:s1+s2], $0x4000, $0x38;
	[tilespmem:$0x1C000] =	vst v63  }
0xdf: {  	_ =	swait.ge [sflag:s28], $0x4000  }
0xe0: {  	[sflag:s28] =	ssyncset.done $0x0  }
0xe1: {  	s1 =	rddreg [dreg:$0x11];
	[sflag:s28] =	ssyncadd.s32 $0xFFFFC000  }
0xe2: {  	[hbm4b:s1+s2] =	stream.linear.scatter [tilespmem:s23], [sflag:$0xC], $0x4000, $0x38;
	[tilespmem:$0x1C000] =	vst v63  }
0xe3: {  	_ =	swait.ge [sflag:s17], $0x4000  }
0xe4: {  	[sflag:s17] =	ssyncset.done $0x0  }
0xe5: {  	s1 =	rddreg [dreg:$0x12];
	[sflag:s17] =	ssyncadd.s32 $0xFFFFC000  }
0xe6: {  	[tilespmem:s24], [sflag:$0x4] =	stream.linear.gather [hbm4b:s1+s2], $0x4000, $0x38;
	[tilespmem:$0x1C000] =	vst v63  }
0xe7: {  	_ =	swait.ge [sflag:s29], $0x4000  }
0xe8: {  	[sflag:s29] =	ssyncset.done $0x0  }
0xe9: {  	s1 =	rddreg [dreg:$0x13];
	[sflag:s29] =	ssyncadd.s32 $0xFFFFC000  }
0xea: {  	[hbm4b:s1+s2] =	stream.linear.scatter [tilespmem:s21], [sflag:$0xD], $0x4000, $0x38;
	[tilespmem:$0x1C000] =	vst v63  }
0xeb: {  	_ =	swait.ge [sflag:s15], $0x4000  }
0xec: {  	[sflag:s15] =	ssyncset.done $0x0  }
0xed: {  	s1 =	rddreg [dreg:$0x14];
	[sflag:s15] =	ssyncadd.s32 $0xFFFFC000  }
0xee: {  	[tilespmem:s23], [sflag:$0x5] =	stream.linear.gather [hbm4b:s1+s2], $0x4000, $0x38;
	[tilespmem:$0x1C000] =	vst v63  }
0xef: {  	_ =	swait.ge [sflag:s26], $0x4000  }
0xf0: {  	[sflag:s26] =	ssyncset.done $0x0  }
0xf1: {  	s1 =	rddreg [dreg:$0x15];
	[sflag:s26] =	ssyncadd.s32 $0xFFFFC000  }
0xf2: {  	[hbm4b:s1+s2] =	stream.linear.scatter [tilespmem:s19], [sflag:$0xE], $0x4000, $0x38;
	[tilespmem:$0x1C000] =	vst v63  }
0xf3: {  	_ =	swait.ge [sflag:s13], $0x4000  }
0xf4: {  	[sflag:s13] =	ssyncset.done $0x0  }
0xf5: {  	s1 =	rddreg [dreg:$0x16];
	[sflag:s13] =	ssyncadd.s32 $0xFFFFC000  }
0xf6: {  	[tilespmem:s21], [sflag:$0x6] =	stream.linear.gather [hbm4b:s1+s2], $0x4000, $0x38;
	[tilespmem:$0x1C000] =	vst v63  }
0xf7: {  	_ =	swait.ge [sflag:s16], $0x4000  }
0xf8: {  	[sflag:s16] =	ssyncset.done $0x0  }
0xf9: {  	s1 =	rddreg [dreg:$0x17];
	[sflag:s16] =	ssyncadd.s32 $0xFFFFC000  }
0xfa: {  	[hbm4b:s1+s2] =	stream.linear.scatter [tilespmem:s2], [sflag:$0x8], $0x4000, $0x38;
	[tilespmem:$0x1C000] =	vst v63  }
0xfb: {  	_ =	swait.ge [sflag:s10], $0x4000  }
0xfc: {  	[sflag:s10] =	ssyncset.done $0x0  }
0xfd: {  	s1 =	rddreg [dreg:$0x18];
	[sflag:s10] =	ssyncadd.s32 $0xFFFFC000  }
0xfe: {  	[tilespmem:s19], [sflag:$0x7] =	stream.linear.gather [hbm4b:s1+s2], $0x4000, $0x38;
	[tilespmem:$0x1C000] =	vst v63  }
0xff: {  	_ =	swait.ge [sflag:s11], $0x4000  }
0x100: {  	[sflag:s11] =	ssyncset.done $0x0  }
0x101: {  	s1 =	rddreg [dreg:$0x19];
	[sflag:s11] =	ssyncadd.s32 $0xFFFFC000  }
0x102: {  	[hbm4b:s1+s2] =	stream.linear.scatter [tilespmem:s6], [sflag:$0x9], $0x4000, $0x38;
	[tilespmem:$0x1C000] =	vst v63  }
0x103: {  	_ =	swait.ge [sflag:s4], $0x4000  }
0x104: {  	[sflag:s4] =	ssyncset.done $0x0  }
0x105: {  	s1 =	rddreg [dreg:$0x1a];
	[sflag:s4] =	ssyncadd.s32 $0xFFFFC000  }
0x106: {  	[tilespmem:s2], [sflag:$0x1] =	stream.linear.gather [hbm4b:s1+s2], $0x4000, $0x38;
	[tilespmem:$0x1C000] =	vst v63  }
0x107: {  	_ =	swait.ge [sflag:s31], $0x4000  }
0x108: {  	[sflag:s31] =	ssyncset.done $0x0  }
0x109: {  	[sflag:s31] =	ssyncadd.s32 $0xFFFFC000  }
0x10a: {  	[hbm4b:s22+s2] =	stream.linear.scatter [tilespmem:s25], [sflag:$0xA], $0x4000, $0x38;
	[tilespmem:$0x1C000] =	vst v63  }
0x10b: {  	_ =	swait.ge [sflag:s3], $0x4000  }
0x10c: {  	[sflag:s3] =	ssyncset.done $0x0  }
0x10d: {  	[sflag:s3] =	ssyncadd.s32 $0xFFFFC000  }
0x10e: {  	[tilespmem:s6], [sflag:$0x2] =	stream.linear.gather [hbm4b:s20+s2], $0x4000, $0x38;
	[tilespmem:$0x1C000] =	vst v63  }
0x10f: {  	_ =	swait.ge [sflag:s30], $0x4000  }
0x110: {  	[sflag:s30] =	ssyncset.done $0x0  }
0x111: {  	[sflag:s30] =	ssyncadd.s32 $0xFFFFC000  }
0x112: {  	[hbm4b:s18+s2] =	stream.linear.scatter [tilespmem:s24], [sflag:$0xB], $0x4000, $0x38;
	[tilespmem:$0x1C000] =	vst v63  }
0x113: {  	_ =	swait.ge [sflag:s28], $0x4000  }
0x114: {  	[sflag:s28] =	ssyncset.done $0x0  }
0x115: {  	[sflag:s28] =	ssyncadd.s32 $0xFFFFC000  }
0x116: {  	[hbm4b:s14+s2] =	stream.linear.scatter [tilespmem:s23], [sflag:$0xC], $0x4000, $0x38;
	[tilespmem:$0x1C000] =	vst v63  }
0x117: {  	_ =	swait.ge [sflag:s29], $0x4000  }
0x118: {  	[sflag:s29] =	ssyncset.done $0x0  }
0x119: {  	[sflag:s29] =	ssyncadd.s32 $0xFFFFC000  }
0x11a: {  	[hbm4b:s9+s2] =	stream.linear.scatter [tilespmem:s21], [sflag:$0xD], $0x4000, $0x38;
	[tilespmem:$0x1C000] =	vst v63  }
0x11b: {  	_ =	swait.ge [sflag:s26], $0x4000  }
0x11c: {  	[sflag:s26] =	ssyncset.done $0x0  }
0x11d: {  	[sflag:s26] =	ssyncadd.s32 $0xFFFFC000  }
0x11e: {  	[hbm4b:s8+s2] =	stream.linear.scatter [tilespmem:s19], [sflag:$0xE], $0x4000, $0x38;
	[tilespmem:$0x1C000] =	vst v63  }
0x11f: {  	_ =	swait.ge [sflag:s16], $0x4000  }
0x120: {  	[sflag:s16] =	ssyncset.done $0x0  }
0x121: {  	[sflag:s16] =	ssyncadd.s32 $0xFFFFC000  }
0x122: {  	[hbm4b:s7+s2] =	stream.linear.scatter [tilespmem:s2], [sflag:$0x8], $0x4000, $0x38;
	[tilespmem:$0x1C000] =	vst v63  }
0x123: {  	_ =	swait.ge [sflag:s11], $0x4000  }
0x124: {  	[sflag:s11] =	ssyncset.done $0x0  }
0x125: {  	[sflag:s11] =	ssyncadd.s32 $0xFFFFC000  }
0x126: {  	[hbm4b:s5+s2] =	stream.linear.scatter [tilespmem:s6], [sflag:$0x9], $0x4000, $0x38;
	[tilespmem:$0x1C000] =	vst v63  }
0x127: {  	_ =	swait.ge [sflag:s12], $0x4000  }
0x128: {  	[sflag:s12] =	ssyncset.done $0x0  }
0x129: {  	[sflag:s12] =	ssyncadd.s32 $0xFFFFC000  }
0x12a: {  	_ =	swait.ge [sflag:s17], $0x4000  }
0x12b: {  	[sflag:s17] =	ssyncset.done $0x0  }
0x12c: {  	[sflag:s17] =	ssyncadd.s32 $0xFFFFC000  }
0x12d: {  	_ =	swait.ge [sflag:s15], $0x4000  }
0x12e: {  	[sflag:s15] =	ssyncset.done $0x0  }
0x12f: {  	[sflag:s15] =	ssyncadd.s32 $0xFFFFC000  }
0x130: {  	_ =	swait.ge [sflag:s13], $0x4000  }
0x131: {  	[sflag:s13] =	ssyncset.done $0x0  }
0x132: {  	[sflag:s13] =	ssyncadd.s32 $0xFFFFC000  }
0x133: {  	_ =	swait.ge [sflag:s10], $0x4000  }
0x134: {  	[sflag:s10] =	ssyncset.done $0x0  }
0x135: {  	p1 =	sne.s32 s0, $0x1;
	[sflag:s10] =	ssyncadd.s32 $0xFFFFC000  }
.Ltmp2:
0x136: {  	_ =	swait.ge [sflag:s4], $0x4000;
	(pc) =	sbr.rel @p1 .LBB2_2-.Ltmp2, $4  }
0x137: {  	[sflag:s4] =	ssyncset.done $0x0  }
0x138: {  	[sflag:s4] =	ssyncadd.s32 $0xFFFFC000  }
0x139: {  	_ =	swait.ge [sflag:s3], $0x4000  }
0x13a: {  	s0 =	sadd.s32 $0xFFFFFFFF, s0;
	s1 =	rddreg [dreg:$0x3];
	[sflag:s3] =	ssyncset.done $0x0  }
.LBB2_3:
0x13b: {  	[sflag:s3] =	ssyncadd.s32 @p0 $0xFFFFC000  }
0x13c: {  	[tilespmem:s2], [sflag:$0x1] =	stream.linear.gather [hbm4b:s1+s2], $0x4000, $0x38;
	[tilespmem:$0x1C000] =	vst v63  }
0x13d: {  	s0 =	rddreg [dreg:$0x4]  }
0x13e: {  	[tilespmem:s6], [sflag:$0x2] =	stream.linear.gather [hbm4b:s0+s2], $0x4000, $0x38;
	[tilespmem:$0x1C000] =	vst v63  }
0x13f: {  	s1 =	rddreg [dreg:$0x5]  }
0x140: {  	[tilespmem:s25], [sflag:$0x3] =	stream.linear.gather [hbm4b:s1+s2], $0x4000, $0x38;
	[tilespmem:$0x1C000] =	vst v63  }
0x141: {  	s0 =	rddreg [dreg:$0x6]  }
0x142: {  	[tilespmem:s24], [sflag:$0x4] =	stream.linear.gather [hbm4b:s0+s2], $0x4000, $0x38;
	[tilespmem:$0x1C000] =	vst v63  }
0x143: {  	s1 =	rddreg [dreg:$0x7]  }
0x144: {  	[tilespmem:s23], [sflag:$0x5] =	stream.linear.gather [hbm4b:s1+s2], $0x4000, $0x38;
	[tilespmem:$0x1C000] =	vst v63  }
0x145: {  	s0 =	rddreg [dreg:$0x8]  }
0x146: {  	[tilespmem:s21], [sflag:$0x6] =	stream.linear.gather [hbm4b:s0+s2], $0x4000, $0x38;
	[tilespmem:$0x1C000] =	vst v63  }
0x147: {  	s1 =	rddreg [dreg:$0x9]  }
0x148: {  	[tilespmem:s19], [sflag:$0x7] =	stream.linear.gather [hbm4b:s1+s2], $0x4000, $0x38;
	[tilespmem:$0x1C000] =	vst v63  }
0x149: {  	_ =	swait.ge [sflag:s16], $0x4000  }
0x14a: {  	[sflag:s16] =	ssyncset.done $0x0  }
0x14b: {  	s1 =	rddreg [dreg:$0xa];
	[sflag:s16] =	ssyncadd.s32 $0xFFFFC000  }
0x14c: {  	[hbm4b:s1+s2] =	stream.linear.scatter [tilespmem:s2], [sflag:$0x8], $0x4000, $0x38;
	[tilespmem:$0x1C000] =	vst v63  }
0x14d: {  	_ =	swait.ge [sflag:s11], $0x4000  }
0x14e: {  	[sflag:s11] =	ssyncset.done $0x0  }
0x14f: {  	s1 =	rddreg [dreg:$0xb];
	[sflag:s11] =	ssyncadd.s32 $0xFFFFC000  }
0x150: {  	[hbm4b:s1+s2] =	stream.linear.scatter [tilespmem:s6], [sflag:$0x9], $0x4000, $0x38;
	[tilespmem:$0x1C000] =	vst v63  }
0x151: {  	_ =	swait.ge [sflag:s4], $0x4000  }
0x152: {  	[sflag:s4] =	ssyncset.done $0x0  }
0x153: {  	s1 =	rddreg [dreg:$0xc];
	[sflag:s4] =	ssyncadd.s32 $0xFFFFC000  }
0x154: {  	[tilespmem:s2], [sflag:$0x1] =	stream.linear.gather [hbm4b:s1+s2], $0x4000, $0x38;
	[tilespmem:$0x1C000] =	vst v63  }
0x155: {  	_ =	swait.ge [sflag:s31], $0x4000  }
0x156: {  	[sflag:s31] =	ssyncset.done $0x0  }
0x157: {  	s1 =	rddreg [dreg:$0xd];
	[sflag:s31] =	ssyncadd.s32 $0xFFFFC000  }
0x158: {  	[hbm4b:s1+s2] =	stream.linear.scatter [tilespmem:s25], [sflag:$0xA], $0x4000, $0x38;
	[tilespmem:$0x1C000] =	vst v63  }
0x159: {  	_ =	swait.ge [sflag:s3], $0x4000  }
0x15a: {  	[sflag:s3] =	ssyncset.done $0x0  }
0x15b: {  	s1 =	rddreg [dreg:$0xe];
	[sflag:s3] =	ssyncadd.s32 $0xFFFFC000  }
0x15c: {  	[tilespmem:s6], [sflag:$0x2] =	stream.linear.gather [hbm4b:s1+s2], $0x4000, $0x38;
	[tilespmem:$0x1C000] =	vst v63  }
0x15d: {  	_ =	swait.ge [sflag:s30], $0x4000  }
0x15e: {  	[sflag:s30] =	ssyncset.done $0x0  }
0x15f: {  	s1 =	rddreg [dreg:$0xf];
	[sflag:s30] =	ssyncadd.s32 $0xFFFFC000  }
0x160: {  	[hbm4b:s1+s2] =	stream.linear.scatter [tilespmem:s24], [sflag:$0xB], $0x4000, $0x38;
	[tilespmem:$0x1C000] =	vst v63  }
0x161: {  	_ =	swait.ge [sflag:s12], $0x4000  }
0x162: {  	[sflag:s12] =	ssyncset.done $0x0  }
0x163: {  	s1 =	rddreg [dreg:$0x10];
	[sflag:s12] =	ssyncadd.s32 $0xFFFFC000  }
0x164: {  	[tilespmem:s25], [sflag:$0x3] =	stream.linear.gather [hbm4b:s1+s2], $0x4000, $0x38;
	[tilespmem:$0x1C000] =	vst v63  }
0x165: {  	_ =	swait.ge [sflag:s28], $0x4000  }
0x166: {  	[sflag:s28] =	ssyncset.done $0x0  }
0x167: {  	s1 =	rddreg [dreg:$0x11];
	[sflag:s28] =	ssyncadd.s32 $0xFFFFC000  }
0x168: {  	[hbm4b:s1+s2] =	stream.linear.scatter [tilespmem:s23], [sflag:$0xC], $0x4000, $0x38;
	[tilespmem:$0x1C000] =	vst v63  }
0x169: {  	_ =	swait.ge [sflag:s17], $0x4000  }
0x16a: {  	[sflag:s17] =	ssyncset.done $0x0  }
0x16b: {  	s1 =	rddreg [dreg:$0x12];
	[sflag:s17] =	ssyncadd.s32 $0xFFFFC000  }
0x16c: {  	[tilespmem:s24], [sflag:$0x4] =	stream.linear.gather [hbm4b:s1+s2], $0x4000, $0x38;
	[tilespmem:$0x1C000] =	vst v63  }
0x16d: {  	_ =	swait.ge [sflag:s29], $0x4000  }
0x16e: {  	[sflag:s29] =	ssyncset.done $0x0  }
0x16f: {  	s1 =	rddreg [dreg:$0x13];
	[sflag:s29] =	ssyncadd.s32 $0xFFFFC000  }
0x170: {  	[hbm4b:s1+s2] =	stream.linear.scatter [tilespmem:s21], [sflag:$0xD], $0x4000, $0x38;
	[tilespmem:$0x1C000] =	vst v63  }
0x171: {  	_ =	swait.ge [sflag:s15], $0x4000  }
0x172: {  	[sflag:s15] =	ssyncset.done $0x0  }
0x173: {  	s1 =	rddreg [dreg:$0x14];
	[sflag:s15] =	ssyncadd.s32 $0xFFFFC000  }
0x174: {  	[tilespmem:s23], [sflag:$0x5] =	stream.linear.gather [hbm4b:s1+s2], $0x4000, $0x38;
	[tilespmem:$0x1C000] =	vst v63  }
0x175: {  	_ =	swait.ge [sflag:s26], $0x4000  }
0x176: {  	[sflag:s26] =	ssyncset.done $0x0  }
0x177: {  	s1 =	rddreg [dreg:$0x15];
	[sflag:s26] =	ssyncadd.s32 $0xFFFFC000  }
0x178: {  	[hbm4b:s1+s2] =	stream.linear.scatter [tilespmem:s19], [sflag:$0xE], $0x4000, $0x38;
	[tilespmem:$0x1C000] =	vst v63  }
0x179: {  	_ =	swait.ge [sflag:s13], $0x4000  }
0x17a: {  	[sflag:s13] =	ssyncset.done $0x0  }
0x17b: {  	s1 =	rddreg [dreg:$0x16];
	[sflag:s13] =	ssyncadd.s32 $0xFFFFC000  }
0x17c: {  	[tilespmem:s21], [sflag:$0x6] =	stream.linear.gather [hbm4b:s1+s2], $0x4000, $0x38;
	[tilespmem:$0x1C000] =	vst v63  }
0x17d: {  	_ =	swait.ge [sflag:s16], $0x4000  }
0x17e: {  	[sflag:s16] =	ssyncset.done $0x0  }
0x17f: {  	s1 =	rddreg [dreg:$0x17];
	[sflag:s16] =	ssyncadd.s32 $0xFFFFC000  }
0x180: {  	[hbm4b:s1+s2] =	stream.linear.scatter [tilespmem:s2], [sflag:$0x8], $0x4000, $0x38;
	[tilespmem:$0x1C000] =	vst v63  }
0x181: {  	_ =	swait.ge [sflag:s10], $0x4000  }
0x182: {  	[sflag:s10] =	ssyncset.done $0x0  }
0x183: {  	s1 =	rddreg [dreg:$0x18];
	[sflag:s10] =	ssyncadd.s32 $0xFFFFC000  }
0x184: {  	[tilespmem:s19], [sflag:$0x7] =	stream.linear.gather [hbm4b:s1+s2], $0x4000, $0x38;
	[tilespmem:$0x1C000] =	vst v63  }
0x185: {  	_ =	swait.ge [sflag:s11], $0x4000  }
0x186: {  	[sflag:s11] =	ssyncset.done $0x0  }
0x187: {  	s1 =	rddreg [dreg:$0x19];
	[sflag:s11] =	ssyncadd.s32 $0xFFFFC000  }
0x188: {  	[hbm4b:s1+s2] =	stream.linear.scatter [tilespmem:s6], [sflag:$0x9], $0x4000, $0x38;
	[tilespmem:$0x1C000] =	vst v63  }
0x189: {  	_ =	swait.ge [sflag:s4], $0x4000  }
0x18a: {  	[sflag:s4] =	ssyncset.done $0x0  }
0x18b: {  	s1 =	rddreg [dreg:$0x1a];
	[sflag:s4] =	ssyncadd.s32 $0xFFFFC000  }
0x18c: {  	[tilespmem:s2], [sflag:$0x1] =	stream.linear.gather [hbm4b:s1+s2], $0x4000, $0x38;
	[tilespmem:$0x1C000] =	vst v63  }
0x18d: {  	_ =	swait.ge [sflag:s31], $0x4000  }
0x18e: {  	[sflag:s31] =	ssyncset.done $0x0  }
0x18f: {  	[sflag:s31] =	ssyncadd.s32 $0xFFFFC000  }
0x190: {  	[hbm4b:s22+s2] =	stream.linear.scatter [tilespmem:s25], [sflag:$0xA], $0x4000, $0x38;
	[tilespmem:$0x1C000] =	vst v63  }
0x191: {  	_ =	swait.ge [sflag:s3], $0x4000  }
0x192: {  	[sflag:s3] =	ssyncset.done $0x0  }
0x193: {  	[sflag:s3] =	ssyncadd.s32 $0xFFFFC000  }
0x194: {  	[tilespmem:s6], [sflag:$0x2] =	stream.linear.gather [hbm4b:s20+s2], $0x4000, $0x38;
	[tilespmem:$0x1C000] =	vst v63  }
0x195: {  	_ =	swait.ge [sflag:s30], $0x4000  }
0x196: {  	[sflag:s30] =	ssyncset.done $0x0  }
0x197: {  	[sflag:s30] =	ssyncadd.s32 $0xFFFFC000  }
0x198: {  	[hbm4b:s18+s2] =	stream.linear.scatter [tilespmem:s24], [sflag:$0xB], $0x4000, $0x38;
	[tilespmem:$0x1C000] =	vst v63  }
0x199: {  	_ =	swait.ge [sflag:s28], $0x4000  }
0x19a: {  	[sflag:s28] =	ssyncset.done $0x0  }
0x19b: {  	[sflag:s28] =	ssyncadd.s32 $0xFFFFC000  }
0x19c: {  	[hbm4b:s14+s2] =	stream.linear.scatter [tilespmem:s23], [sflag:$0xC], $0x4000, $0x38;
	[tilespmem:$0x1C000] =	vst v63  }
0x19d: {  	_ =	swait.ge [sflag:s29], $0x4000  }
0x19e: {  	[sflag:s29] =	ssyncset.done $0x0  }
0x19f: {  	[sflag:s29] =	ssyncadd.s32 $0xFFFFC000  }
0x1a0: {  	[hbm4b:s9+s2] =	stream.linear.scatter [tilespmem:s21], [sflag:$0xD], $0x4000, $0x38;
	[tilespmem:$0x1C000] =	vst v63  }
0x1a1: {  	_ =	swait.ge [sflag:s26], $0x4000  }
0x1a2: {  	[sflag:s26] =	ssyncset.done $0x0  }
0x1a3: {  	[sflag:s26] =	ssyncadd.s32 $0xFFFFC000  }
0x1a4: {  	[hbm4b:s8+s2] =	stream.linear.scatter [tilespmem:s19], [sflag:$0xE], $0x4000, $0x38;
	[tilespmem:$0x1C000] =	vst v63  }
0x1a5: {  	_ =	swait.ge [sflag:s16], $0x4000  }
0x1a6: {  	[sflag:s16] =	ssyncset.done $0x0  }
0x1a7: {  	[sflag:s16] =	ssyncadd.s32 $0xFFFFC000  }
0x1a8: {  	[hbm4b:s7+s2] =	stream.linear.scatter [tilespmem:s2], [sflag:$0x8], $0x4000, $0x38;
	[tilespmem:$0x1C000] =	vst v63  }
0x1a9: {  	_ =	swait.ge [sflag:s11], $0x4000  }
0x1aa: {  	[sflag:s11] =	ssyncset.done $0x0  }
0x1ab: {  	[sflag:s11] =	ssyncadd.s32 $0xFFFFC000  }
0x1ac: {  	[hbm4b:s5+s2] =	stream.linear.scatter [tilespmem:s6], [sflag:$0x9], $0x4000, $0x38;
	[tilespmem:$0x1C000] =	vst v63  }
0x1ad: {  	_ =	swait.ge [sflag:s12], $0x4000  }
0x1ae: {  	[sflag:s12] =	ssyncset.done $0x0  }
0x1af: {  	[sflag:s12] =	ssyncadd.s32 $0xFFFFC000  }
0x1b0: {  	_ =	swait.ge [sflag:s17], $0x4000  }
0x1b1: {  	[sflag:s17] =	ssyncset.done $0x0  }
0x1b2: {  	[sflag:s17] =	ssyncadd.s32 $0xFFFFC000  }
0x1b3: {  	_ =	swait.ge [sflag:s15], $0x4000  }
0x1b4: {  	[sflag:s15] =	ssyncset.done $0x0  }
0x1b5: {  	[sflag:s15] =	ssyncadd.s32 $0xFFFFC000  }
0x1b6: {  	_ =	swait.ge [sflag:s13], $0x4000  }
0x1b7: {  	[sflag:s13] =	ssyncset.done $0x0  }
0x1b8: {  	[sflag:s13] =	ssyncadd.s32 $0xFFFFC000  }
0x1b9: {  	_ =	swait.ge [sflag:s10], $0x4000  }
0x1ba: {  	[sflag:s10] =	ssyncset.done $0x0  }
0x1bb: {  	[sflag:s10] =	ssyncadd.s32 $0xFFFFC000  }
0x1bc: {  	_ =	swait.ge [sflag:s4], $0x4000  }
0x1bd: {  	[sflag:s4] =	ssyncset.done $0x0  }
0x1be: {  	[sflag:s4] =	ssyncadd.s32 $0xFFFFC000  }
0x1bf: {  	_ =	swait.ge [sflag:s3], $0x4000  }
0x1c0: {  	[sflag:s3] =	ssyncset.done $0x0  }
0x1c1: {  	[sflag:s3] =	ssyncadd.s32 $0xFFFFC000  }
0x1c2: {  	_ =	sfence.sel $0x180000  }
0x1c3: {  	[bflag:$0x0] =	sbarrier.arrive $0xFFFF  }
0x1c4: {  	_ =	strace $0x90000047  }
0x1c5: {  	s31 =	stileid.u32;
	[bflag:$0x2] =	sbarrier.arrive $0xFFFF  }
0x1c6: {  	p0 =	sne.s32 s31, $0x0;
	s0 =	rddreg [dreg:$0x2]  }
0x1c7: {  	s0 =	sadd.s32 @!p0 $0x100000, s0  }
0x1c8: {  	[sflag:s0] =	ssyncadd.tile.s32 @!p0 $0x1;
	_ =	shalt  }
.Lfunc_end2:
_tile_overlayer_lowered:
.L_overlay_start_2:
0x1c9: {  	(tag) =	ssettag $0x2  }
0x1ca: {  	s0 =	rddreg [dreg:$0x0];
	s2 =	stileid.u32  }
0x1cb: {  	s1 =	rddreg [dreg:$0x1];
	p0 =	sne.s32 s2, $0x0  }
0x1cc: {  	s3 =	rddreg [dreg:$0x2];
	[bflag:$0x3] =	sbarrier.arrive $0xFFFF;
	s2 =	simm.s32 @!p0 $0x1C0F  }
0x1cd: {  	[timem:s3], [sflag:s2] =	dma.local @!p0 [hbm:s0], s1  }
0x1ce: {  	s0 =	simm.s32 @!p0 $0xF  }
0x1cf: {  	_ =	swait.ge @!p0 [sflag:s0], s1  }
0x1d0: {  	s1 =	ssub.s32 @!p0 $0x0, s1;
	[sflag:s0] =	ssyncset.done @!p0 $0x0  }
0x1d1: {  	[sflag:s0] =	ssyncadd.s32 @!p0 s1  }
0x1d2: {  	[bflag:$0x3] =	sbarrier.arrive $0xFFFF  }
0x1d3: {  	_ =	shalt  }

</sc_bundles>
